<compile_context>
chip_gen: v7x
topology: tpu7x:2x2x1
jax: 0.10.2.dev20260603
libtpu: 0.0.44.dev20260713+nightly
codegen_flags: <defaults>
</compile_context>

<pallas_src>
import functools

import jax
import jax.numpy as jnp
from jax import lax
from jax.experimental import pallas as pl
from jax.experimental.pallas import tpu as pltpu
from jax.experimental.pallas import tpu_sc as plsc

_F = 26
_D = 64
_B = 4096
_N = _B * _F

_NC, _NS = 2, 16
_NW = _NC * _NS
_PER_W = _N // _NW
_SPW = _B // _NW
_CHUNK = 416
_NCHUNK = _PER_W // _CHUNK
_NBUF = 4
_NSLAB = _SPW // 8
_NTC = (_F * _D) // 128

_mesh = plsc.VectorSubcoreMesh(core_axis_name="c", subcore_axis_name="s")


@functools.partial(
    pl.kernel,
    mesh=_mesh,
    out_type=(
        jax.ShapeDtypeStruct((_N, _D), jnp.float32),
        jax.ShapeDtypeStruct((_N, _D), jnp.float32),
    ),
    scratch_types=[
        pltpu.VMEM((_F, _SPW), jnp.int32),
        pltpu.VMEM((_NCHUNK, _CHUNK), jnp.int32),
        pltpu.VMEM((_NBUF, _CHUNK, _D), jnp.float32),
    ]
    + [pltpu.SemaphoreType.DMA] * (2 * _NBUF),
    compiler_params=pltpu.CompilerParams(
        use_tc_tiling_on_sc=False, needs_layout_passes=False),
)
def _gather(xt_hbm, table_hbm, out0_hbm, out1_hbm, idx_v, idxp_v, rows_v,
            *sems):
    gsems, osems = sems[:_NBUF], sems[_NBUF:]
    wid = lax.axis_index("s") * _NC + lax.axis_index("c")
    base = wid * _PER_W
    pltpu.sync_copy(xt_hbm.at[:, pl.ds(wid * _SPW, _SPW)], idx_v)

    lane = lax.broadcasted_iota(jnp.int32, (16,), 0)
    pat_e = lane & 1
    pat_r = lane >> 1

    def _slab(j, _):
        for g in range(_NTC):
            vals = plsc.load_gather(idx_v, [pat_e + 2 * g, pat_r + j * 8])
            q16 = j * _NTC + g
            gpr = _CHUNK // 16
            idxp_v[q16 // gpr, pl.ds((q16 % gpr) * 16, 16)] = vals
        return _

    lax.fori_loop(0, _NSLAB, _slab, 0)

    pend_g = [None] * _NBUF
    pend_o = [None] * _NBUF

    def _writeback(j):
        b = j % _NBUF
        pend_g[b].wait()
        dst = pl.ds(base + j * _CHUNK, _CHUNK)
        pend_o[b] = (
            pltpu.async_copy(rows_v.at[b], out0_hbm.at[dst], osems[b]),
            pltpu.async_copy(rows_v.at[b], out1_hbm.at[dst], osems[b]),
        )

    for j in range(_NCHUNK):
        b = j % _NBUF
        if pend_o[b] is not None:
            pend_o[b][0].wait()
            pend_o[b][1].wait()
        pend_g[b] = pltpu.async_copy(
            table_hbm.at[idxp_v.at[j]], rows_v.at[b], gsems[b])
        if j >= _NBUF - 1:
            _writeback(j - (_NBUF - 1))
    for j in range(max(0, _NCHUNK - (_NBUF - 1)), _NCHUNK):
        _writeback(j)
    for b in range(_NBUF):
        if pend_o[b] is not None:
            pend_o[b][0].wait()
            pend_o[b][1].wait()


def _depermute(flat):
    return (
        flat.reshape(_B // 8, _NTC, 8, 128)
        .transpose(0, 2, 1, 3)
        .reshape(_B, _F * _D)
    )


def kernel(X, table):
    flat0, flat1 = _gather(X.T, table)
    return (_depermute(flat0), _depermute(flat1))

# --- scband reference (transcript-rebuilt; emitter-appended) ---
"""Pipeline reference for scband-share-bottom-16303695855831 (READ-ONLY COPY).

The authoritative reference and input builder live on the scoring server;
editing this copy changes nothing except your own understanding.
"""

import jax, jax.numpy as jnp
import numpy as np

NUM_FIELDS = 26
VOCAB = 100000
EMB_DIM = 64
BATCH = 4096

def setup_inputs(seed: int = 0) -> dict:
    key = jax.random.key(seed)
    k_idx, k_tab = jax.random.split(key)
    X = jax.random.randint(k_idx, (BATCH, NUM_FIELDS), 0, VOCAB, dtype=jnp.int64 if jax.config.jax_enable_x64 else jnp.int32).astype(jnp.int32)
    table = jax.random.normal(k_tab, (VOCAB, EMB_DIM), dtype=jnp.float32) * 0.01
    return {"X": X, "table": table}

def reference(X, table):
    # FeatureEmbedding: per-field embedding lookup (shared-vocab table),
    # dynamic_emb_dim=True -> flatten field embeddings into one vector per sample.
    emb = jnp.take(table, X, axis=0)               # [B, F, D]
    out = emb.reshape(X.shape[0], NUM_FIELDS * EMB_DIM)  # [B, F*D]
    # share_bottom returns the shared-bottom representation twice (one per task)
    return (out, out)

if __name__ == "__main__":
    import jax
    _d = setup_inputs()
    print(jax.jit(kernel)(*tuple(_d.values())))

</pallas_src>

<mosaic_0001>
#map = affine_map<(d0, d1) -> (0, 0)>
module attributes {stable_mosaic.version = 14 : i64} {
  func.func @_gather(%arg0: i32, %arg1: i32, %arg2: memref<26x4096xi32, #tpu.memory_space<hbm>>, %arg3: memref<100000x64xf32, #tpu.memory_space<hbm>>, %arg4: memref<106496x64xf32, #tpu.memory_space<hbm>>, %arg5: memref<106496x64xf32, #tpu.memory_space<hbm>>, %arg6: memref<26x128xi32, #tpu.memory_space<vmem>>, %arg7: memref<8x416xi32, #tpu.memory_space<vmem>>, %arg8: memref<4x416x64xf32, #tpu.memory_space<vmem>>, %arg9: memref<!tpu.dma_semaphore, #tpu.memory_space<semaphore_mem>>, %arg10: memref<!tpu.dma_semaphore, #tpu.memory_space<semaphore_mem>>, %arg11: memref<!tpu.dma_semaphore, #tpu.memory_space<semaphore_mem>>, %arg12: memref<!tpu.dma_semaphore, #tpu.memory_space<semaphore_mem>>, %arg13: memref<!tpu.dma_semaphore, #tpu.memory_space<semaphore_mem>>, %arg14: memref<!tpu.dma_semaphore, #tpu.memory_space<semaphore_mem>>, %arg15: memref<!tpu.dma_semaphore, #tpu.memory_space<semaphore_mem>>, %arg16: memref<!tpu.dma_semaphore, #tpu.memory_space<semaphore_mem>>) attributes {dimension_semantics = [#tpu.dimension_semantics<core_parallel>, #tpu.dimension_semantics<subcore_parallel>], iteration_bounds = array<i64: 2, 16>, scalar_prefetch = 0 : i64, scratch_operands = 11 : i64, tpu.core_type = #tpu.core_type<sc_vector_subcore>, window_params = [{transform_indices = #map}, {transform_indices = #map}, {transform_indices = #map}, {transform_indices = #map}]} {
    %mul3A = arith.constant 2 : i32
    %mul3A_0 = arith.muli %arg1, %mul3A : i32
    %add3A = arith.addi %mul3A_0, %arg0 : i32
    %mul3A_1 = arith.constant 3328 : i32
    %mul3A_2 = arith.muli %add3A, %mul3A_1 : i32
    %mul3A_3 = arith.constant 128 : i32
    %mul3A_4 = arith.muli %add3A, %mul3A_3 : i32
    "tpu.region"() ({
      %run_scoped3A = tpu.sem_alloc : memref<!tpu.dma_semaphore, #tpu.memory_space<semaphore_mem>>
      %dma_start3A_636 = arith.constant 0 : i32
      %dma_start3A_637 = tpu.memref_slice %arg2[%dma_start3A_636, %mul3A_4] : memref<26x4096xi32, #tpu.memory_space<hbm>> -> memref<26x128xi32, #tpu.memory_space<hbm>>
      %dma_start3A_638 = arith.constant 0 : i32
      %dma_start3A_639 = tpu.memref_slice %arg2[%dma_start3A_638, %mul3A_4] : memref<26x4096xi32, #tpu.memory_space<hbm>> -> memref<26x128xi32, #tpu.memory_space<hbm>>
      tpu.enqueue_dma source(%dma_start3A_639 : memref<26x128xi32, #tpu.memory_space<hbm>>) target(%arg6 : memref<26x128xi32, #tpu.memory_space<vmem>>) target_semaphore(%run_scoped3A : memref<!tpu.dma_semaphore, #tpu.memory_space<semaphore_mem>>)
      %dma_wait3A_640 = arith.constant 0 : i32
      %dma_wait3A_641 = tpu.memref_slice %arg2[%dma_wait3A_640, %mul3A_4] : memref<26x4096xi32, #tpu.memory_space<hbm>> -> memref<26x128xi32, #tpu.memory_space<hbm>>
      %dma_wait3A_642 = arith.constant 0 : i32
      %dma_wait3A_643 = tpu.memref_slice %arg2[%dma_wait3A_642, %mul3A_4] : memref<26x4096xi32, #tpu.memory_space<hbm>> -> memref<26x128xi32, #tpu.memory_space<hbm>>
      tpu.wait_dma2 semaphore(%run_scoped3A : memref<!tpu.dma_semaphore, #tpu.memory_space<semaphore_mem>>) src(%dma_wait3A_643 : memref<26x128xi32, #tpu.memory_space<hbm>>) dst(%arg6 : memref<26x128xi32, #tpu.memory_space<vmem>>)
      tpu.yield
    }) : () -> ()
    %iota3A = tpu.iota {dimensions = array<i32: 0>} : vector<16xi32>
    %and3A = arith.constant 1 : i32
    %and3A_5 = vector.broadcast %and3A : i32 to vector<16xi32>
    %and3A_6 = arith.andi %iota3A, %and3A_5 : vector<16xi32>
    %shift_right_arithmetic3A = arith.constant 1 : i32
    %shift_right_arithmetic3A_7 = vector.broadcast %shift_right_arithmetic3A : i32 to vector<16xi32>
    %shift_right_arithmetic3A_8 = arith.shrsi %iota3A, %shift_right_arithmetic3A_7 : vector<16xi32>
    %scan3A = arith.constant 0 : i32
    %scan3A_9 = arith.constant 0 : i32
    %scan3A_10 = arith.constant 16 : i32
    %scan3A_11 = arith.addi %scan3A_9, %scan3A_10 : i32
    %scan3A_12 = arith.constant 1 : i32
    scf.for %scan3A_636 = %scan3A_9 to %scan3A_11 step %scan3A_12  : i32 {
      %add3A_637 = arith.constant 0 : i32
      %add3A_638 = vector.broadcast %add3A_637 : i32 to vector<16xi32>
      %add3A_639 = arith.addi %and3A_6, %add3A_638 : vector<16xi32>
      %mul3A_640 = arith.constant 8 : i32
      %mul3A_641 = arith.muli %scan3A_636, %mul3A_640 : i32
      %add3A_642 = vector.broadcast %mul3A_641 : i32 to vector<16xi32>
      %add3A_643 = arith.addi %shift_right_arithmetic3A_8, %add3A_642 : vector<16xi32>
      %gather3A = tpu.vector_load_idx %arg6[%add3A_639, %add3A_643] : memref<26x128xi32, #tpu.memory_space<vmem>>[vector<16xi32>, vector<16xi32>], vector<16xi32>,
      %mul3A_644 = arith.constant 13 : i32
      %mul3A_645 = arith.muli %scan3A_636, %mul3A_644 : i32
      %add3A_646 = arith.constant 0 : i32
      %add3A_647 = arith.addi %mul3A_645, %add3A_646 : i32
      %jit3A = arith.constant 26 : i32
      %div3A = arith.divsi %add3A_647, %jit3A : i32
      %sign3A = arith.constant 0 : i32
      %sign3A_648 = arith.cmpi sgt, %add3A_647, %sign3A : i32
      %sign3A_649 = arith.extui %sign3A_648 : i1 to i32
      %sign3A_650 = arith.constant 0 : i32
      %sign3A_651 = arith.cmpi slt, %add3A_647, %sign3A_650 : i32
      %sign3A_652 = arith.extui %sign3A_651 : i1 to i32
      %sign3A_653 = arith.subi %sign3A_649, %sign3A_652 : i32
      %sign3A_654 = arith.constant 0 : i32
      %sign3A_655 = arith.cmpi sgt, %jit3A, %sign3A_654 : i32
      %sign3A_656 = arith.extui %sign3A_655 : i1 to i32
      %sign3A_657 = arith.constant 0 : i32
      %sign3A_658 = arith.cmpi slt, %jit3A, %sign3A_657 : i32
      %sign3A_659 = arith.extui %sign3A_658 : i1 to i32
      %sign3A_660 = arith.subi %sign3A_656, %sign3A_659 : i32
      %ne3A = arith.cmpi ne, %sign3A_653, %sign3A_660 : i32
      %rem3A = arith.remsi %add3A_647, %jit3A : i32
      %ne3A_661 = arith.constant 0 : i32
      %ne3A_662 = arith.cmpi ne, %rem3A, %ne3A_661 : i32
      %and3A_663 = arith.andi %ne3A, %ne3A_662 : i1
      %sub3A = arith.constant 1 : i32
      %sub3A_664 = arith.subi %div3A, %sub3A : i32
      %select_n3A = arith.select %and3A_663, %sub3A_664, %div3A : i32
      %jit3A_665 = arith.constant 26 : i32
      %eq3A = arith.constant 0 : i32
      %eq3A_666 = arith.cmpi eq, %jit3A_665, %eq3A : i32
      %jit3A_667 = arith.constant 1 : i32
      %select_n3A_668 = arith.select %eq3A_666, %jit3A_667, %jit3A_665 : i32
      %rem3A_669 = arith.remsi %add3A_647, %select_n3A_668 : i32
      %ne3A_670 = arith.constant 0 : i32
      %ne3A_671 = arith.cmpi ne, %rem3A_669, %ne3A_670 : i32
      %lt3A = arith.constant 0 : i32
      %lt3A_672 = arith.cmpi slt, %rem3A_669, %lt3A : i32
      %lt3A_673 = arith.constant 0 : i32
      %lt3A_674 = arith.cmpi slt, %select_n3A_668, %lt3A_673 : i32
      %ne3A_675 = arith.xori %lt3A_672, %lt3A_674 : i1
      %and3A_676 = arith.andi %ne3A_675, %ne3A_671 : i1
      %add3A_677 = arith.addi %rem3A_669, %select_n3A_668 : i32
      %select_n3A_678 = arith.select %and3A_676, %add3A_677, %rem3A_669 : i32
      %mul3A_679 = arith.constant 16 : i32
      %mul3A_680 = arith.muli %select_n3A_678, %mul3A_679 : i32
      %swap3A = arith.index_cast %select_n3A : i32 to index
      %swap3A_681 = arith.index_cast %mul3A_680 : i32 to index
      %swap3A_682 = tpu.vector_load %arg7[%swap3A, %swap3A_681] {strides = array<i32>} : memref<8x416xi32, #tpu.memory_space<vmem>>, vector<16xi32>,
      tpu.vector_store %arg7[%swap3A, %swap3A_681], %gather3A {strides = array<i32>} : memref<8x416xi32, #tpu.memory_space<vmem>>, vector<16xi32>,
      %add3A_683 = arith.constant 2 : i32
      %add3A_684 = vector.broadcast %add3A_683 : i32 to vector<16xi32>
      %add3A_685 = arith.addi %and3A_6, %add3A_684 : vector<16xi32>
      %mul3A_686 = arith.constant 8 : i32
      %mul3A_687 = arith.muli %scan3A_636, %mul3A_686 : i32
      %add3A_688 = vector.broadcast %mul3A_687 : i32 to vector<16xi32>
      %add3A_689 = arith.addi %shift_right_arithmetic3A_8, %add3A_688 : vector<16xi32>
      %gather3A_690 = tpu.vector_load_idx %arg6[%add3A_685, %add3A_689] : memref<26x128xi32, #tpu.memory_space<vmem>>[vector<16xi32>, vector<16xi32>], vector<16xi32>,
      %mul3A_691 = arith.constant 13 : i32
      %mul3A_692 = arith.muli %scan3A_636, %mul3A_691 : i32
      %add3A_693 = arith.constant 1 : i32
      %add3A_694 = arith.addi %mul3A_692, %add3A_693 : i32
      %jit3A_695 = arith.constant 26 : i32
      %div3A_696 = arith.divsi %add3A_694, %jit3A_695 : i32
      %sign3A_697 = arith.constant 0 : i32
      %sign3A_698 = arith.cmpi sgt, %add3A_694, %sign3A_697 : i32
      %sign3A_699 = arith.extui %sign3A_698 : i1 to i32
      %sign3A_700 = arith.constant 0 : i32
      %sign3A_701 = arith.cmpi slt, %add3A_694, %sign3A_700 : i32
      %sign3A_702 = arith.extui %sign3A_701 : i1 to i32
      %sign3A_703 = arith.subi %sign3A_699, %sign3A_702 : i32
      %sign3A_704 = arith.constant 0 : i32
      %sign3A_705 = arith.cmpi sgt, %jit3A_695, %sign3A_704 : i32
      %sign3A_706 = arith.extui %sign3A_705 : i1 to i32
      %sign3A_707 = arith.constant 0 : i32
      %sign3A_708 = arith.cmpi slt, %jit3A_695, %sign3A_707 : i32
      %sign3A_709 = arith.extui %sign3A_708 : i1 to i32
      %sign3A_710 = arith.subi %sign3A_706, %sign3A_709 : i32
      %ne3A_711 = arith.cmpi ne, %sign3A_703, %sign3A_710 : i32
      %rem3A_712 = arith.remsi %add3A_694, %jit3A_695 : i32
      %ne3A_713 = arith.constant 0 : i32
      %ne3A_714 = arith.cmpi ne, %rem3A_712, %ne3A_713 : i32
      %and3A_715 = arith.andi %ne3A_711, %ne3A_714 : i1
      %sub3A_716 = arith.constant 1 : i32
      %sub3A_717 = arith.subi %div3A_696, %sub3A_716 : i32
      %select_n3A_718 = arith.select %and3A_715, %sub3A_717, %div3A_696 : i32
      %jit3A_719 = arith.constant 26 : i32
      %eq3A_720 = arith.constant 0 : i32
      %eq3A_721 = arith.cmpi eq, %jit3A_719, %eq3A_720 : i32
      %jit3A_722 = arith.constant 1 : i32
      %select_n3A_723 = arith.select %eq3A_721, %jit3A_722, %jit3A_719 : i32
      %rem3A_724 = arith.remsi %add3A_694, %select_n3A_723 : i32
      %ne3A_725 = arith.constant 0 : i32
      %ne3A_726 = arith.cmpi ne, %rem3A_724, %ne3A_725 : i32
      %lt3A_727 = arith.constant 0 : i32
      %lt3A_728 = arith.cmpi slt, %rem3A_724, %lt3A_727 : i32
      %lt3A_729 = arith.constant 0 : i32
      %lt3A_730 = arith.cmpi slt, %select_n3A_723, %lt3A_729 : i32
      %ne3A_731 = arith.xori %lt3A_728, %lt3A_730 : i1
      %and3A_732 = arith.andi %ne3A_731, %ne3A_726 : i1
      %add3A_733 = arith.addi %rem3A_724, %select_n3A_723 : i32
      %select_n3A_734 = arith.select %and3A_732, %add3A_733, %rem3A_724 : i32
      %mul3A_735 = arith.constant 16 : i32
      %mul3A_736 = arith.muli %select_n3A_734, %mul3A_735 : i32
      %swap3A_737 = arith.index_cast %select_n3A_718 : i32 to index
      %swap3A_738 = arith.index_cast %mul3A_736 : i32 to index
      %swap3A_739 = tpu.vector_load %arg7[%swap3A_737, %swap3A_738] {strides = array<i32>} : memref<8x416xi32, #tpu.memory_space<vmem>>, vector<16xi32>,
      tpu.vector_store %arg7[%swap3A_737, %swap3A_738], %gather3A_690 {strides = array<i32>} : memref<8x416xi32, #tpu.memory_space<vmem>>, vector<16xi32>,
      %add3A_740 = arith.constant 4 : i32
      %add3A_741 = vector.broadcast %add3A_740 : i32 to vector<16xi32>
      %add3A_742 = arith.addi %and3A_6, %add3A_741 : vector<16xi32>
      %mul3A_743 = arith.constant 8 : i32
      %mul3A_744 = arith.muli %scan3A_636, %mul3A_743 : i32
      %add3A_745 = vector.broadcast %mul3A_744 : i32 to vector<16xi32>
      %add3A_746 = arith.addi %shift_right_arithmetic3A_8, %add3A_745 : vector<16xi32>
      %gather3A_747 = tpu.vector_load_idx %arg6[%add3A_742, %add3A_746] : memref<26x128xi32, #tpu.memory_space<vmem>>[vector<16xi32>, vector<16xi32>], vector<16xi32>,
      %mul3A_748 = arith.constant 13 : i32
      %mul3A_749 = arith.muli %scan3A_636, %mul3A_748 : i32
      %add3A_750 = arith.constant 2 : i32
      %add3A_751 = arith.addi %mul3A_749, %add3A_750 : i32
      %jit3A_752 = arith.constant 26 : i32
      %div3A_753 = arith.divsi %add3A_751, %jit3A_752 : i32
      %sign3A_754 = arith.constant 0 : i32
      %sign3A_755 = arith.cmpi sgt, %add3A_751, %sign3A_754 : i32
      %sign3A_756 = arith.extui %sign3A_755 : i1 to i32
      %sign3A_757 = arith.constant 0 : i32
      %sign3A_758 = arith.cmpi slt, %add3A_751, %sign3A_757 : i32
      %sign3A_759 = arith.extui %sign3A_758 : i1 to i32
      %sign3A_760 = arith.subi %sign3A_756, %sign3A_759 : i32
      %sign3A_761 = arith.constant 0 : i32
      %sign3A_762 = arith.cmpi sgt, %jit3A_752, %sign3A_761 : i32
      %sign3A_763 = arith.extui %sign3A_762 : i1 to i32
      %sign3A_764 = arith.constant 0 : i32
      %sign3A_765 = arith.cmpi slt, %jit3A_752, %sign3A_764 : i32
      %sign3A_766 = arith.extui %sign3A_765 : i1 to i32
      %sign3A_767 = arith.subi %sign3A_763, %sign3A_766 : i32
      %ne3A_768 = arith.cmpi ne, %sign3A_760, %sign3A_767 : i32
      %rem3A_769 = arith.remsi %add3A_751, %jit3A_752 : i32
      %ne3A_770 = arith.constant 0 : i32
      %ne3A_771 = arith.cmpi ne, %rem3A_769, %ne3A_770 : i32
      %and3A_772 = arith.andi %ne3A_768, %ne3A_771 : i1
      %sub3A_773 = arith.constant 1 : i32
      %sub3A_774 = arith.subi %div3A_753, %sub3A_773 : i32
      %select_n3A_775 = arith.select %and3A_772, %sub3A_774, %div3A_753 : i32
      %jit3A_776 = arith.constant 26 : i32
      %eq3A_777 = arith.constant 0 : i32
      %eq3A_778 = arith.cmpi eq, %jit3A_776, %eq3A_777 : i32
      %jit3A_779 = arith.constant 1 : i32
      %select_n3A_780 = arith.select %eq3A_778, %jit3A_779, %jit3A_776 : i32
      %rem3A_781 = arith.remsi %add3A_751, %select_n3A_780 : i32
      %ne3A_782 = arith.constant 0 : i32
      %ne3A_783 = arith.cmpi ne, %rem3A_781, %ne3A_782 : i32
      %lt3A_784 = arith.constant 0 : i32
      %lt3A_785 = arith.cmpi slt, %rem3A_781, %lt3A_784 : i32
      %lt3A_786 = arith.constant 0 : i32
      %lt3A_787 = arith.cmpi slt, %select_n3A_780, %lt3A_786 : i32
      %ne3A_788 = arith.xori %lt3A_785, %lt3A_787 : i1
      %and3A_789 = arith.andi %ne3A_788, %ne3A_783 : i1
      %add3A_790 = arith.addi %rem3A_781, %select_n3A_780 : i32
      %select_n3A_791 = arith.select %and3A_789, %add3A_790, %rem3A_781 : i32
      %mul3A_792 = arith.constant 16 : i32
      %mul3A_793 = arith.muli %select_n3A_791, %mul3A_792 : i32
      %swap3A_794 = arith.index_cast %select_n3A_775 : i32 to index
      %swap3A_795 = arith.index_cast %mul3A_793 : i32 to index
      %swap3A_796 = tpu.vector_load %arg7[%swap3A_794, %swap3A_795] {strides = array<i32>} : memref<8x416xi32, #tpu.memory_space<vmem>>, vector<16xi32>,
      tpu.vector_store %arg7[%swap3A_794, %swap3A_795], %gather3A_747 {strides = array<i32>} : memref<8x416xi32, #tpu.memory_space<vmem>>, vector<16xi32>,
      %add3A_797 = arith.constant 6 : i32
      %add3A_798 = vector.broadcast %add3A_797 : i32 to vector<16xi32>
      %add3A_799 = arith.addi %and3A_6, %add3A_798 : vector<16xi32>
      %mul3A_800 = arith.constant 8 : i32
      %mul3A_801 = arith.muli %scan3A_636, %mul3A_800 : i32
      %add3A_802 = vector.broadcast %mul3A_801 : i32 to vector<16xi32>
      %add3A_803 = arith.addi %shift_right_arithmetic3A_8, %add3A_802 : vector<16xi32>
      %gather3A_804 = tpu.vector_load_idx %arg6[%add3A_799, %add3A_803] : memref<26x128xi32, #tpu.memory_space<vmem>>[vector<16xi32>, vector<16xi32>], vector<16xi32>,
      %mul3A_805 = arith.constant 13 : i32
      %mul3A_806 = arith.muli %scan3A_636, %mul3A_805 : i32
      %add3A_807 = arith.constant 3 : i32
      %add3A_808 = arith.addi %mul3A_806, %add3A_807 : i32
      %jit3A_809 = arith.constant 26 : i32
      %div3A_810 = arith.divsi %add3A_808, %jit3A_809 : i32
      %sign3A_811 = arith.constant 0 : i32
      %sign3A_812 = arith.cmpi sgt, %add3A_808, %sign3A_811 : i32
      %sign3A_813 = arith.extui %sign3A_812 : i1 to i32
      %sign3A_814 = arith.constant 0 : i32
      %sign3A_815 = arith.cmpi slt, %add3A_808, %sign3A_814 : i32
      %sign3A_816 = arith.extui %sign3A_815 : i1 to i32
      %sign3A_817 = arith.subi %sign3A_813, %sign3A_816 : i32
      %sign3A_818 = arith.constant 0 : i32
      %sign3A_819 = arith.cmpi sgt, %jit3A_809, %sign3A_818 : i32
      %sign3A_820 = arith.extui %sign3A_819 : i1 to i32
      %sign3A_821 = arith.constant 0 : i32
      %sign3A_822 = arith.cmpi slt, %jit3A_809, %sign3A_821 : i32
      %sign3A_823 = arith.extui %sign3A_822 : i1 to i32
      %sign3A_824 = arith.subi %sign3A_820, %sign3A_823 : i32
      %ne3A_825 = arith.cmpi ne, %sign3A_817, %sign3A_824 : i32
      %rem3A_826 = arith.remsi %add3A_808, %jit3A_809 : i32
      %ne3A_827 = arith.constant 0 : i32
      %ne3A_828 = arith.cmpi ne, %rem3A_826, %ne3A_827 : i32
      %and3A_829 = arith.andi %ne3A_825, %ne3A_828 : i1
      %sub3A_830 = arith.constant 1 : i32
      %sub3A_831 = arith.subi %div3A_810, %sub3A_830 : i32
      %select_n3A_832 = arith.select %and3A_829, %sub3A_831, %div3A_810 : i32
      %jit3A_833 = arith.constant 26 : i32
      %eq3A_834 = arith.constant 0 : i32
      %eq3A_835 = arith.cmpi eq, %jit3A_833, %eq3A_834 : i32
      %jit3A_836 = arith.constant 1 : i32
      %select_n3A_837 = arith.select %eq3A_835, %jit3A_836, %jit3A_833 : i32
      %rem3A_838 = arith.remsi %add3A_808, %select_n3A_837 : i32
      %ne3A_839 = arith.constant 0 : i32
      %ne3A_840 = arith.cmpi ne, %rem3A_838, %ne3A_839 : i32
      %lt3A_841 = arith.constant 0 : i32
      %lt3A_842 = arith.cmpi slt, %rem3A_838, %lt3A_841 : i32
      %lt3A_843 = arith.constant 0 : i32
      %lt3A_844 = arith.cmpi slt, %select_n3A_837, %lt3A_843 : i32
      %ne3A_845 = arith.xori %lt3A_842, %lt3A_844 : i1
      %and3A_846 = arith.andi %ne3A_845, %ne3A_840 : i1
      %add3A_847 = arith.addi %rem3A_838, %select_n3A_837 : i32
      %select_n3A_848 = arith.select %and3A_846, %add3A_847, %rem3A_838 : i32
      %mul3A_849 = arith.constant 16 : i32
      %mul3A_850 = arith.muli %select_n3A_848, %mul3A_849 : i32
      %swap3A_851 = arith.index_cast %select_n3A_832 : i32 to index
      %swap3A_852 = arith.index_cast %mul3A_850 : i32 to index
      %swap3A_853 = tpu.vector_load %arg7[%swap3A_851, %swap3A_852] {strides = array<i32>} : memref<8x416xi32, #tpu.memory_space<vmem>>, vector<16xi32>,
      tpu.vector_store %arg7[%swap3A_851, %swap3A_852], %gather3A_804 {strides = array<i32>} : memref<8x416xi32, #tpu.memory_space<vmem>>, vector<16xi32>,
      %add3A_854 = arith.constant 8 : i32
      %add3A_855 = vector.broadcast %add3A_854 : i32 to vector<16xi32>
      %add3A_856 = arith.addi %and3A_6, %add3A_855 : vector<16xi32>
      %mul3A_857 = arith.constant 8 : i32
      %mul3A_858 = arith.muli %scan3A_636, %mul3A_857 : i32
      %add3A_859 = vector.broadcast %mul3A_858 : i32 to vector<16xi32>
      %add3A_860 = arith.addi %shift_right_arithmetic3A_8, %add3A_859 : vector<16xi32>
      %gather3A_861 = tpu.vector_load_idx %arg6[%add3A_856, %add3A_860] : memref<26x128xi32, #tpu.memory_space<vmem>>[vector<16xi32>, vector<16xi32>], vector<16xi32>,
      %mul3A_862 = arith.constant 13 : i32
      %mul3A_863 = arith.muli %scan3A_636, %mul3A_862 : i32
      %add3A_864 = arith.constant 4 : i32
      %add3A_865 = arith.addi %mul3A_863, %add3A_864 : i32
      %jit3A_866 = arith.constant 26 : i32
      %div3A_867 = arith.divsi %add3A_865, %jit3A_866 : i32
      %sign3A_868 = arith.constant 0 : i32
      %sign3A_869 = arith.cmpi sgt, %add3A_865, %sign3A_868 : i32
      %sign3A_870 = arith.extui %sign3A_869 : i1 to i32
      %sign3A_871 = arith.constant 0 : i32
      %sign3A_872 = arith.cmpi slt, %add3A_865, %sign3A_871 : i32
      %sign3A_873 = arith.extui %sign3A_872 : i1 to i32
      %sign3A_874 = arith.subi %sign3A_870, %sign3A_873 : i32
      %sign3A_875 = arith.constant 0 : i32
      %sign3A_876 = arith.cmpi sgt, %jit3A_866, %sign3A_875 : i32
      %sign3A_877 = arith.extui %sign3A_876 : i1 to i32
      %sign3A_878 = arith.constant 0 : i32
      %sign3A_879 = arith.cmpi slt, %jit3A_866, %sign3A_878 : i32
      %sign3A_880 = arith.extui %sign3A_879 : i1 to i32
      %sign3A_881 = arith.subi %sign3A_877, %sign3A_880 : i32
      %ne3A_882 = arith.cmpi ne, %sign3A_874, %sign3A_881 : i32
      %rem3A_883 = arith.remsi %add3A_865, %jit3A_866 : i32
      %ne3A_884 = arith.constant 0 : i32
      %ne3A_885 = arith.cmpi ne, %rem3A_883, %ne3A_884 : i32
      %and3A_886 = arith.andi %ne3A_882, %ne3A_885 : i1
      %sub3A_887 = arith.constant 1 : i32
      %sub3A_888 = arith.subi %div3A_867, %sub3A_887 : i32
      %select_n3A_889 = arith.select %and3A_886, %sub3A_888, %div3A_867 : i32
      %jit3A_890 = arith.constant 26 : i32
      %eq3A_891 = arith.constant 0 : i32
      %eq3A_892 = arith.cmpi eq, %jit3A_890, %eq3A_891 : i32
      %jit3A_893 = arith.constant 1 : i32
      %select_n3A_894 = arith.select %eq3A_892, %jit3A_893, %jit3A_890 : i32
      %rem3A_895 = arith.remsi %add3A_865, %select_n3A_894 : i32
      %ne3A_896 = arith.constant 0 : i32
      %ne3A_897 = arith.cmpi ne, %rem3A_895, %ne3A_896 : i32
      %lt3A_898 = arith.constant 0 : i32
      %lt3A_899 = arith.cmpi slt, %rem3A_895, %lt3A_898 : i32
      %lt3A_900 = arith.constant 0 : i32
      %lt3A_901 = arith.cmpi slt, %select_n3A_894, %lt3A_900 : i32
      %ne3A_902 = arith.xori %lt3A_899, %lt3A_901 : i1
      %and3A_903 = arith.andi %ne3A_902, %ne3A_897 : i1
      %add3A_904 = arith.addi %rem3A_895, %select_n3A_894 : i32
      %select_n3A_905 = arith.select %and3A_903, %add3A_904, %rem3A_895 : i32
      %mul3A_906 = arith.constant 16 : i32
      %mul3A_907 = arith.muli %select_n3A_905, %mul3A_906 : i32
      %swap3A_908 = arith.index_cast %select_n3A_889 : i32 to index
      %swap3A_909 = arith.index_cast %mul3A_907 : i32 to index
      %swap3A_910 = tpu.vector_load %arg7[%swap3A_908, %swap3A_909] {strides = array<i32>} : memref<8x416xi32, #tpu.memory_space<vmem>>, vector<16xi32>,
      tpu.vector_store %arg7[%swap3A_908, %swap3A_909], %gather3A_861 {strides = array<i32>} : memref<8x416xi32, #tpu.memory_space<vmem>>, vector<16xi32>,
      %add3A_911 = arith.constant 10 : i32
      %add3A_912 = vector.broadcast %add3A_911 : i32 to vector<16xi32>
      %add3A_913 = arith.addi %and3A_6, %add3A_912 : vector<16xi32>
      %mul3A_914 = arith.constant 8 : i32
      %mul3A_915 = arith.muli %scan3A_636, %mul3A_914 : i32
      %add3A_916 = vector.broadcast %mul3A_915 : i32 to vector<16xi32>
      %add3A_917 = arith.addi %shift_right_arithmetic3A_8, %add3A_916 : vector<16xi32>
      %gather3A_918 = tpu.vector_load_idx %arg6[%add3A_913, %add3A_917] : memref<26x128xi32, #tpu.memory_space<vmem>>[vector<16xi32>, vector<16xi32>], vector<16xi32>,
      %mul3A_919 = arith.constant 13 : i32
      %mul3A_920 = arith.muli %scan3A_636, %mul3A_919 : i32
      %add3A_921 = arith.constant 5 : i32
      %add3A_922 = arith.addi %mul3A_920, %add3A_921 : i32
      %jit3A_923 = arith.constant 26 : i32
      %div3A_924 = arith.divsi %add3A_922, %jit3A_923 : i32
      %sign3A_925 = arith.constant 0 : i32
      %sign3A_926 = arith.cmpi sgt, %add3A_922, %sign3A_925 : i32
      %sign3A_927 = arith.extui %sign3A_926 : i1 to i32
      %sign3A_928 = arith.constant 0 : i32
      %sign3A_929 = arith.cmpi slt, %add3A_922, %sign3A_928 : i32
      %sign3A_930 = arith.extui %sign3A_929 : i1 to i32
      %sign3A_931 = arith.subi %sign3A_927, %sign3A_930 : i32
      %sign3A_932 = arith.constant 0 : i32
      %sign3A_933 = arith.cmpi sgt, %jit3A_923, %sign3A_932 : i32
      %sign3A_934 = arith.extui %sign3A_933 : i1 to i32
      %sign3A_935 = arith.constant 0 : i32
      %sign3A_936 = arith.cmpi slt, %jit3A_923, %sign3A_935 : i32
      %sign3A_937 = arith.extui %sign3A_936 : i1 to i32
      %sign3A_938 = arith.subi %sign3A_934, %sign3A_937 : i32
      %ne3A_939 = arith.cmpi ne, %sign3A_931, %sign3A_938 : i32
      %rem3A_940 = arith.remsi %add3A_922, %jit3A_923 : i32
      %ne3A_941 = arith.constant 0 : i32
      %ne3A_942 = arith.cmpi ne, %rem3A_940, %ne3A_941 : i32
      %and3A_943 = arith.andi %ne3A_939, %ne3A_942 : i1
      %sub3A_944 = arith.constant 1 : i32
      %sub3A_945 = arith.subi %div3A_924, %sub3A_944 : i32
      %select_n3A_946 = arith.select %and3A_943, %sub3A_945, %div3A_924 : i32
      %jit3A_947 = arith.constant 26 : i32
      %eq3A_948 = arith.constant 0 : i32
      %eq3A_949 = arith.cmpi eq, %jit3A_947, %eq3A_948 : i32
      %jit3A_950 = arith.constant 1 : i32
      %select_n3A_951 = arith.select %eq3A_949, %jit3A_950, %jit3A_947 : i32
      %rem3A_952 = arith.remsi %add3A_922, %select_n3A_951 : i32
      %ne3A_953 = arith.constant 0 : i32
      %ne3A_954 = arith.cmpi ne, %rem3A_952, %ne3A_953 : i32
      %lt3A_955 = arith.constant 0 : i32
      %lt3A_956 = arith.cmpi slt, %rem3A_952, %lt3A_955 : i32
      %lt3A_957 = arith.constant 0 : i32
      %lt3A_958 = arith.cmpi slt, %select_n3A_951, %lt3A_957 : i32
      %ne3A_959 = arith.xori %lt3A_956, %lt3A_958 : i1
      %and3A_960 = arith.andi %ne3A_959, %ne3A_954 : i1
      %add3A_961 = arith.addi %rem3A_952, %select_n3A_951 : i32
      %select_n3A_962 = arith.select %and3A_960, %add3A_961, %rem3A_952 : i32
      %mul3A_963 = arith.constant 16 : i32
      %mul3A_964 = arith.muli %select_n3A_962, %mul3A_963 : i32
      %swap3A_965 = arith.index_cast %select_n3A_946 : i32 to index
      %swap3A_966 = arith.index_cast %mul3A_964 : i32 to index
      %swap3A_967 = tpu.vector_load %arg7[%swap3A_965, %swap3A_966] {strides = array<i32>} : memref<8x416xi32, #tpu.memory_space<vmem>>, vector<16xi32>,
      tpu.vector_store %arg7[%swap3A_965, %swap3A_966], %gather3A_918 {strides = array<i32>} : memref<8x416xi32, #tpu.memory_space<vmem>>, vector<16xi32>,
      %add3A_968 = arith.constant 12 : i32
      %add3A_969 = vector.broadcast %add3A_968 : i32 to vector<16xi32>
      %add3A_970 = arith.addi %and3A_6, %add3A_969 : vector<16xi32>
      %mul3A_971 = arith.constant 8 : i32
      %mul3A_972 = arith.muli %scan3A_636, %mul3A_971 : i32
      %add3A_973 = vector.broadcast %mul3A_972 : i32 to vector<16xi32>
      %add3A_974 = arith.addi %shift_right_arithmetic3A_8, %add3A_973 : vector<16xi32>
      %gather3A_975 = tpu.vector_load_idx %arg6[%add3A_970, %add3A_974] : memref<26x128xi32, #tpu.memory_space<vmem>>[vector<16xi32>, vector<16xi32>], vector<16xi32>,
      %mul3A_976 = arith.constant 13 : i32
      %mul3A_977 = arith.muli %scan3A_636, %mul3A_976 : i32
      %add3A_978 = arith.constant 6 : i32
      %add3A_979 = arith.addi %mul3A_977, %add3A_978 : i32
      %jit3A_980 = arith.constant 26 : i32
      %div3A_981 = arith.divsi %add3A_979, %jit3A_980 : i32
      %sign3A_982 = arith.constant 0 : i32
      %sign3A_983 = arith.cmpi sgt, %add3A_979, %sign3A_982 : i32
      %sign3A_984 = arith.extui %sign3A_983 : i1 to i32
      %sign3A_985 = arith.constant 0 : i32
      %sign3A_986 = arith.cmpi slt, %add3A_979, %sign3A_985 : i32
      %sign3A_987 = arith.extui %sign3A_986 : i1 to i32
      %sign3A_988 = arith.subi %sign3A_984, %sign3A_987 : i32
      %sign3A_989 = arith.constant 0 : i32
      %sign3A_990 = arith.cmpi sgt, %jit3A_980, %sign3A_989 : i32
      %sign3A_991 = arith.extui %sign3A_990 : i1 to i32
      %sign3A_992 = arith.constant 0 : i32
      %sign3A_993 = arith.cmpi slt, %jit3A_980, %sign3A_992 : i32
      %sign3A_994 = arith.extui %sign3A_993 : i1 to i32
      %sign3A_995 = arith.subi %sign3A_991, %sign3A_994 : i32
      %ne3A_996 = arith.cmpi ne, %sign3A_988, %sign3A_995 : i32
      %rem3A_997 = arith.remsi %add3A_979, %jit3A_980 : i32
      %ne3A_998 = arith.constant 0 : i32
      %ne3A_999 = arith.cmpi ne, %rem3A_997, %ne3A_998 : i32
      %and3A_1000 = arith.andi %ne3A_996, %ne3A_999 : i1
      %sub3A_1001 = arith.constant 1 : i32
      %sub3A_1002 = arith.subi %div3A_981, %sub3A_1001 : i32
      %select_n3A_1003 = arith.select %and3A_1000, %sub3A_1002, %div3A_981 : i32
      %jit3A_1004 = arith.constant 26 : i32
      %eq3A_1005 = arith.constant 0 : i32
      %eq3A_1006 = arith.cmpi eq, %jit3A_1004, %eq3A_1005 : i32
      %jit3A_1007 = arith.constant 1 : i32
      %select_n3A_1008 = arith.select %eq3A_1006, %jit3A_1007, %jit3A_1004 : i32
      %rem3A_1009 = arith.remsi %add3A_979, %select_n3A_1008 : i32
      %ne3A_1010 = arith.constant 0 : i32
      %ne3A_1011 = arith.cmpi ne, %rem3A_1009, %ne3A_1010 : i32
      %lt3A_1012 = arith.constant 0 : i32
      %lt3A_1013 = arith.cmpi slt, %rem3A_1009, %lt3A_1012 : i32
      %lt3A_1014 = arith.constant 0 : i32
      %lt3A_1015 = arith.cmpi slt, %select_n3A_1008, %lt3A_1014 : i32
      %ne3A_1016 = arith.xori %lt3A_1013, %lt3A_1015 : i1
      %and3A_1017 = arith.andi %ne3A_1016, %ne3A_1011 : i1
      %add3A_1018 = arith.addi %rem3A_1009, %select_n3A_1008 : i32
      %select_n3A_1019 = arith.select %and3A_1017, %add3A_1018, %rem3A_1009 : i32
      %mul3A_1020 = arith.constant 16 : i32
      %mul3A_1021 = arith.muli %select_n3A_1019, %mul3A_1020 : i32
      %swap3A_1022 = arith.index_cast %select_n3A_1003 : i32 to index
      %swap3A_1023 = arith.index_cast %mul3A_1021 : i32 to index
      %swap3A_1024 = tpu.vector_load %arg7[%swap3A_1022, %swap3A_1023] {strides = array<i32>} : memref<8x416xi32, #tpu.memory_space<vmem>>, vector<16xi32>,
      tpu.vector_store %arg7[%swap3A_1022, %swap3A_1023], %gather3A_975 {strides = array<i32>} : memref<8x416xi32, #tpu.memory_space<vmem>>, vector<16xi32>,
      %add3A_1025 = arith.constant 14 : i32
      %add3A_1026 = vector.broadcast %add3A_1025 : i32 to vector<16xi32>
      %add3A_1027 = arith.addi %and3A_6, %add3A_1026 : vector<16xi32>
      %mul3A_1028 = arith.constant 8 : i32
      %mul3A_1029 = arith.muli %scan3A_636, %mul3A_1028 : i32
      %add3A_1030 = vector.broadcast %mul3A_1029 : i32 to vector<16xi32>
      %add3A_1031 = arith.addi %shift_right_arithmetic3A_8, %add3A_1030 : vector<16xi32>
      %gather3A_1032 = tpu.vector_load_idx %arg6[%add3A_1027, %add3A_1031] : memref<26x128xi32, #tpu.memory_space<vmem>>[vector<16xi32>, vector<16xi32>], vector<16xi32>,
      %mul3A_1033 = arith.constant 13 : i32
      %mul3A_1034 = arith.muli %scan3A_636, %mul3A_1033 : i32
      %add3A_1035 = arith.constant 7 : i32
      %add3A_1036 = arith.addi %mul3A_1034, %add3A_1035 : i32
      %jit3A_1037 = arith.constant 26 : i32
      %div3A_1038 = arith.divsi %add3A_1036, %jit3A_1037 : i32
      %sign3A_1039 = arith.constant 0 : i32
      %sign3A_1040 = arith.cmpi sgt, %add3A_1036, %sign3A_1039 : i32
      %sign3A_1041 = arith.extui %sign3A_1040 : i1 to i32
      %sign3A_1042 = arith.constant 0 : i32
      %sign3A_1043 = arith.cmpi slt, %add3A_1036, %sign3A_1042 : i32
      %sign3A_1044 = arith.extui %sign3A_1043 : i1 to i32
      %sign3A_1045 = arith.subi %sign3A_1041, %sign3A_1044 : i32
      %sign3A_1046 = arith.constant 0 : i32
      %sign3A_1047 = arith.cmpi sgt, %jit3A_1037, %sign3A_1046 : i32
      %sign3A_1048 = arith.extui %sign3A_1047 : i1 to i32
      %sign3A_1049 = arith.constant 0 : i32
      %sign3A_1050 = arith.cmpi slt, %jit3A_1037, %sign3A_1049 : i32
      %sign3A_1051 = arith.extui %sign3A_1050 : i1 to i32
      %sign3A_1052 = arith.subi %sign3A_1048, %sign3A_1051 : i32
      %ne3A_1053 = arith.cmpi ne, %sign3A_1045, %sign3A_1052 : i32
      %rem3A_1054 = arith.remsi %add3A_1036, %jit3A_1037 : i32
      %ne3A_1055 = arith.constant 0 : i32
      %ne3A_1056 = arith.cmpi ne, %rem3A_1054, %ne3A_1055 : i32
      %and3A_1057 = arith.andi %ne3A_1053, %ne3A_1056 : i1
      %sub3A_1058 = arith.constant 1 : i32
      %sub3A_1059 = arith.subi %div3A_1038, %sub3A_1058 : i32
      %select_n3A_1060 = arith.select %and3A_1057, %sub3A_1059, %div3A_1038 : i32
      %jit3A_1061 = arith.constant 26 : i32
      %eq3A_1062 = arith.constant 0 : i32
      %eq3A_1063 = arith.cmpi eq, %jit3A_1061, %eq3A_1062 : i32
      %jit3A_1064 = arith.constant 1 : i32
      %select_n3A_1065 = arith.select %eq3A_1063, %jit3A_1064, %jit3A_1061 : i32
      %rem3A_1066 = arith.remsi %add3A_1036, %select_n3A_1065 : i32
      %ne3A_1067 = arith.constant 0 : i32
      %ne3A_1068 = arith.cmpi ne, %rem3A_1066, %ne3A_1067 : i32
      %lt3A_1069 = arith.constant 0 : i32
      %lt3A_1070 = arith.cmpi slt, %rem3A_1066, %lt3A_1069 : i32
      %lt3A_1071 = arith.constant 0 : i32
      %lt3A_1072 = arith.cmpi slt, %select_n3A_1065, %lt3A_1071 : i32
      %ne3A_1073 = arith.xori %lt3A_1070, %lt3A_1072 : i1
      %and3A_1074 = arith.andi %ne3A_1073, %ne3A_1068 : i1
      %add3A_1075 = arith.addi %rem3A_1066, %select_n3A_1065 : i32
      %select_n3A_1076 = arith.select %and3A_1074, %add3A_1075, %rem3A_1066 : i32
      %mul3A_1077 = arith.constant 16 : i32
      %mul3A_1078 = arith.muli %select_n3A_1076, %mul3A_1077 : i32
      %swap3A_1079 = arith.index_cast %select_n3A_1060 : i32 to index
      %swap3A_1080 = arith.index_cast %mul3A_1078 : i32 to index
      %swap3A_1081 = tpu.vector_load %arg7[%swap3A_1079, %swap3A_1080] {strides = array<i32>} : memref<8x416xi32, #tpu.memory_space<vmem>>, vector<16xi32>,
      tpu.vector_store %arg7[%swap3A_1079, %swap3A_1080], %gather3A_1032 {strides = array<i32>} : memref<8x416xi32, #tpu.memory_space<vmem>>, vector<16xi32>,
      %add3A_1082 = arith.constant 16 : i32
      %add3A_1083 = vector.broadcast %add3A_1082 : i32 to vector<16xi32>
      %add3A_1084 = arith.addi %and3A_6, %add3A_1083 : vector<16xi32>
      %mul3A_1085 = arith.constant 8 : i32
      %mul3A_1086 = arith.muli %scan3A_636, %mul3A_1085 : i32
      %add3A_1087 = vector.broadcast %mul3A_1086 : i32 to vector<16xi32>
      %add3A_1088 = arith.addi %shift_right_arithmetic3A_8, %add3A_1087 : vector<16xi32>
      %gather3A_1089 = tpu.vector_load_idx %arg6[%add3A_1084, %add3A_1088] : memref<26x128xi32, #tpu.memory_space<vmem>>[vector<16xi32>, vector<16xi32>], vector<16xi32>,
      %mul3A_1090 = arith.constant 13 : i32
      %mul3A_1091 = arith.muli %scan3A_636, %mul3A_1090 : i32
      %add3A_1092 = arith.constant 8 : i32
      %add3A_1093 = arith.addi %mul3A_1091, %add3A_1092 : i32
      %jit3A_1094 = arith.constant 26 : i32
      %div3A_1095 = arith.divsi %add3A_1093, %jit3A_1094 : i32
      %sign3A_1096 = arith.constant 0 : i32
      %sign3A_1097 = arith.cmpi sgt, %add3A_1093, %sign3A_1096 : i32
      %sign3A_1098 = arith.extui %sign3A_1097 : i1 to i32
      %sign3A_1099 = arith.constant 0 : i32
      %sign3A_1100 = arith.cmpi slt, %add3A_1093, %sign3A_1099 : i32
      %sign3A_1101 = arith.extui %sign3A_1100 : i1 to i32
      %sign3A_1102 = arith.subi %sign3A_1098, %sign3A_1101 : i32
      %sign3A_1103 = arith.constant 0 : i32
      %sign3A_1104 = arith.cmpi sgt, %jit3A_1094, %sign3A_1103 : i32
      %sign3A_1105 = arith.extui %sign3A_1104 : i1 to i32
      %sign3A_1106 = arith.constant 0 : i32
      %sign3A_1107 = arith.cmpi slt, %jit3A_1094, %sign3A_1106 : i32
      %sign3A_1108 = arith.extui %sign3A_1107 : i1 to i32
      %sign3A_1109 = arith.subi %sign3A_1105, %sign3A_1108 : i32
      %ne3A_1110 = arith.cmpi ne, %sign3A_1102, %sign3A_1109 : i32
      %rem3A_1111 = arith.remsi %add3A_1093, %jit3A_1094 : i32
      %ne3A_1112 = arith.constant 0 : i32
      %ne3A_1113 = arith.cmpi ne, %rem3A_1111, %ne3A_1112 : i32
      %and3A_1114 = arith.andi %ne3A_1110, %ne3A_1113 : i1
      %sub3A_1115 = arith.constant 1 : i32
      %sub3A_1116 = arith.subi %div3A_1095, %sub3A_1115 : i32
      %select_n3A_1117 = arith.select %and3A_1114, %sub3A_1116, %div3A_1095 : i32
      %jit3A_1118 = arith.constant 26 : i32
      %eq3A_1119 = arith.constant 0 : i32
      %eq3A_1120 = arith.cmpi eq, %jit3A_1118, %eq3A_1119 : i32
      %jit3A_1121 = arith.constant 1 : i32
      %select_n3A_1122 = arith.select %eq3A_1120, %jit3A_1121, %jit3A_1118 : i32
      %rem3A_1123 = arith.remsi %add3A_1093, %select_n3A_1122 : i32
      %ne3A_1124 = arith.constant 0 : i32
      %ne3A_1125 = arith.cmpi ne, %rem3A_1123, %ne3A_1124 : i32
      %lt3A_1126 = arith.constant 0 : i32
      %lt3A_1127 = arith.cmpi slt, %rem3A_1123, %lt3A_1126 : i32
      %lt3A_1128 = arith.constant 0 : i32
      %lt3A_1129 = arith.cmpi slt, %select_n3A_1122, %lt3A_1128 : i32
      %ne3A_1130 = arith.xori %lt3A_1127, %lt3A_1129 : i1
      %and3A_1131 = arith.andi %ne3A_1130, %ne3A_1125 : i1
      %add3A_1132 = arith.addi %rem3A_1123, %select_n3A_1122 : i32
      %select_n3A_1133 = arith.select %and3A_1131, %add3A_1132, %rem3A_1123 : i32
      %mul3A_1134 = arith.constant 16 : i32
      %mul3A_1135 = arith.muli %select_n3A_1133, %mul3A_1134 : i32
      %swap3A_1136 = arith.index_cast %select_n3A_1117 : i32 to index
      %swap3A_1137 = arith.index_cast %mul3A_1135 : i32 to index
      %swap3A_1138 = tpu.vector_load %arg7[%swap3A_1136, %swap3A_1137] {strides = array<i32>} : memref<8x416xi32, #tpu.memory_space<vmem>>, vector<16xi32>,
      tpu.vector_store %arg7[%swap3A_1136, %swap3A_1137], %gather3A_1089 {strides = array<i32>} : memref<8x416xi32, #tpu.memory_space<vmem>>, vector<16xi32>,
      %add3A_1139 = arith.constant 18 : i32
      %add3A_1140 = vector.broadcast %add3A_1139 : i32 to vector<16xi32>
      %add3A_1141 = arith.addi %and3A_6, %add3A_1140 : vector<16xi32>
      %mul3A_1142 = arith.constant 8 : i32
      %mul3A_1143 = arith.muli %scan3A_636, %mul3A_1142 : i32
      %add3A_1144 = vector.broadcast %mul3A_1143 : i32 to vector<16xi32>
      %add3A_1145 = arith.addi %shift_right_arithmetic3A_8, %add3A_1144 : vector<16xi32>
      %gather3A_1146 = tpu.vector_load_idx %arg6[%add3A_1141, %add3A_1145] : memref<26x128xi32, #tpu.memory_space<vmem>>[vector<16xi32>, vector<16xi32>], vector<16xi32>,
      %mul3A_1147 = arith.constant 13 : i32
      %mul3A_1148 = arith.muli %scan3A_636, %mul3A_1147 : i32
      %add3A_1149 = arith.constant 9 : i32
      %add3A_1150 = arith.addi %mul3A_1148, %add3A_1149 : i32
      %jit3A_1151 = arith.constant 26 : i32
      %div3A_1152 = arith.divsi %add3A_1150, %jit3A_1151 : i32
      %sign3A_1153 = arith.constant 0 : i32
      %sign3A_1154 = arith.cmpi sgt, %add3A_1150, %sign3A_1153 : i32
      %sign3A_1155 = arith.extui %sign3A_1154 : i1 to i32
      %sign3A_1156 = arith.constant 0 : i32
      %sign3A_1157 = arith.cmpi slt, %add3A_1150, %sign3A_1156 : i32
      %sign3A_1158 = arith.extui %sign3A_1157 : i1 to i32
      %sign3A_1159 = arith.subi %sign3A_1155, %sign3A_1158 : i32
      %sign3A_1160 = arith.constant 0 : i32
      %sign3A_1161 = arith.cmpi sgt, %jit3A_1151, %sign3A_1160 : i32
      %sign3A_1162 = arith.extui %sign3A_1161 : i1 to i32
      %sign3A_1163 = arith.constant 0 : i32
      %sign3A_1164 = arith.cmpi slt, %jit3A_1151, %sign3A_1163 : i32
      %sign3A_1165 = arith.extui %sign3A_1164 : i1 to i32
      %sign3A_1166 = arith.subi %sign3A_1162, %sign3A_1165 : i32
      %ne3A_1167 = arith.cmpi ne, %sign3A_1159, %sign3A_1166 : i32
      %rem3A_1168 = arith.remsi %add3A_1150, %jit3A_1151 : i32
      %ne3A_1169 = arith.constant 0 : i32
      %ne3A_1170 = arith.cmpi ne, %rem3A_1168, %ne3A_1169 : i32
      %and3A_1171 = arith.andi %ne3A_1167, %ne3A_1170 : i1
      %sub3A_1172 = arith.constant 1 : i32
      %sub3A_1173 = arith.subi %div3A_1152, %sub3A_1172 : i32
      %select_n3A_1174 = arith.select %and3A_1171, %sub3A_1173, %div3A_1152 : i32
      %jit3A_1175 = arith.constant 26 : i32
      %eq3A_1176 = arith.constant 0 : i32
      %eq3A_1177 = arith.cmpi eq, %jit3A_1175, %eq3A_1176 : i32
      %jit3A_1178 = arith.constant 1 : i32
      %select_n3A_1179 = arith.select %eq3A_1177, %jit3A_1178, %jit3A_1175 : i32
      %rem3A_1180 = arith.remsi %add3A_1150, %select_n3A_1179 : i32
      %ne3A_1181 = arith.constant 0 : i32
      %ne3A_1182 = arith.cmpi ne, %rem3A_1180, %ne3A_1181 : i32
      %lt3A_1183 = arith.constant 0 : i32
      %lt3A_1184 = arith.cmpi slt, %rem3A_1180, %lt3A_1183 : i32
      %lt3A_1185 = arith.constant 0 : i32
      %lt3A_1186 = arith.cmpi slt, %select_n3A_1179, %lt3A_1185 : i32
      %ne3A_1187 = arith.xori %lt3A_1184, %lt3A_1186 : i1
      %and3A_1188 = arith.andi %ne3A_1187, %ne3A_1182 : i1
      %add3A_1189 = arith.addi %rem3A_1180, %select_n3A_1179 : i32
      %select_n3A_1190 = arith.select %and3A_1188, %add3A_1189, %rem3A_1180 : i32
      %mul3A_1191 = arith.constant 16 : i32
      %mul3A_1192 = arith.muli %select_n3A_1190, %mul3A_1191 : i32
      %swap3A_1193 = arith.index_cast %select_n3A_1174 : i32 to index
      %swap3A_1194 = arith.index_cast %mul3A_1192 : i32 to index
      %swap3A_1195 = tpu.vector_load %arg7[%swap3A_1193, %swap3A_1194] {strides = array<i32>} : memref<8x416xi32, #tpu.memory_space<vmem>>, vector<16xi32>,
      tpu.vector_store %arg7[%swap3A_1193, %swap3A_1194], %gather3A_1146 {strides = array<i32>} : memref<8x416xi32, #tpu.memory_space<vmem>>, vector<16xi32>,
      %add3A_1196 = arith.constant 20 : i32
      %add3A_1197 = vector.broadcast %add3A_1196 : i32 to vector<16xi32>
      %add3A_1198 = arith.addi %and3A_6, %add3A_1197 : vector<16xi32>
      %mul3A_1199 = arith.constant 8 : i32
      %mul3A_1200 = arith.muli %scan3A_636, %mul3A_1199 : i32
      %add3A_1201 = vector.broadcast %mul3A_1200 : i32 to vector<16xi32>
      %add3A_1202 = arith.addi %shift_right_arithmetic3A_8, %add3A_1201 : vector<16xi32>
      %gather3A_1203 = tpu.vector_load_idx %arg6[%add3A_1198, %add3A_1202] : memref<26x128xi32, #tpu.memory_space<vmem>>[vector<16xi32>, vector<16xi32>], vector<16xi32>,
      %mul3A_1204 = arith.constant 13 : i32
      %mul3A_1205 = arith.muli %scan3A_636, %mul3A_1204 : i32
      %add3A_1206 = arith.constant 10 : i32
      %add3A_1207 = arith.addi %mul3A_1205, %add3A_1206 : i32
      %jit3A_1208 = arith.constant 26 : i32
      %div3A_1209 = arith.divsi %add3A_1207, %jit3A_1208 : i32
      %sign3A_1210 = arith.constant 0 : i32
      %sign3A_1211 = arith.cmpi sgt, %add3A_1207, %sign3A_1210 : i32
      %sign3A_1212 = arith.extui %sign3A_1211 : i1 to i32
      %sign3A_1213 = arith.constant 0 : i32
      %sign3A_1214 = arith.cmpi slt, %add3A_1207, %sign3A_1213 : i32
      %sign3A_1215 = arith.extui %sign3A_1214 : i1 to i32
      %sign3A_1216 = arith.subi %sign3A_1212, %sign3A_1215 : i32
      %sign3A_1217 = arith.constant 0 : i32
      %sign3A_1218 = arith.cmpi sgt, %jit3A_1208, %sign3A_1217 : i32
      %sign3A_1219 = arith.extui %sign3A_1218 : i1 to i32
      %sign3A_1220 = arith.constant 0 : i32
      %sign3A_1221 = arith.cmpi slt, %jit3A_1208, %sign3A_1220 : i32
      %sign3A_1222 = arith.extui %sign3A_1221 : i1 to i32
      %sign3A_1223 = arith.subi %sign3A_1219, %sign3A_1222 : i32
      %ne3A_1224 = arith.cmpi ne, %sign3A_1216, %sign3A_1223 : i32
      %rem3A_1225 = arith.remsi %add3A_1207, %jit3A_1208 : i32
      %ne3A_1226 = arith.constant 0 : i32
      %ne3A_1227 = arith.cmpi ne, %rem3A_1225, %ne3A_1226 : i32
      %and3A_1228 = arith.andi %ne3A_1224, %ne3A_1227 : i1
      %sub3A_1229 = arith.constant 1 : i32
      %sub3A_1230 = arith.subi %div3A_1209, %sub3A_1229 : i32
      %select_n3A_1231 = arith.select %and3A_1228, %sub3A_1230, %div3A_1209 : i32
      %jit3A_1232 = arith.constant 26 : i32
      %eq3A_1233 = arith.constant 0 : i32
      %eq3A_1234 = arith.cmpi eq, %jit3A_1232, %eq3A_1233 : i32
      %jit3A_1235 = arith.constant 1 : i32
      %select_n3A_1236 = arith.select %eq3A_1234, %jit3A_1235, %jit3A_1232 : i32
      %rem3A_1237 = arith.remsi %add3A_1207, %select_n3A_1236 : i32
      %ne3A_1238 = arith.constant 0 : i32
      %ne3A_1239 = arith.cmpi ne, %rem3A_1237, %ne3A_1238 : i32
      %lt3A_1240 = arith.constant 0 : i32
      %lt3A_1241 = arith.cmpi slt, %rem3A_1237, %lt3A_1240 : i32
      %lt3A_1242 = arith.constant 0 : i32
      %lt3A_1243 = arith.cmpi slt, %select_n3A_1236, %lt3A_1242 : i32
      %ne3A_1244 = arith.xori %lt3A_1241, %lt3A_1243 : i1
      %and3A_1245 = arith.andi %ne3A_1244, %ne3A_1239 : i1
      %add3A_1246 = arith.addi %rem3A_1237, %select_n3A_1236 : i32
      %select_n3A_1247 = arith.select %and3A_1245, %add3A_1246, %rem3A_1237 : i32
      %mul3A_1248 = arith.constant 16 : i32
      %mul3A_1249 = arith.muli %select_n3A_1247, %mul3A_1248 : i32
      %swap3A_1250 = arith.index_cast %select_n3A_1231 : i32 to index
      %swap3A_1251 = arith.index_cast %mul3A_1249 : i32 to index
      %swap3A_1252 = tpu.vector_load %arg7[%swap3A_1250, %swap3A_1251] {strides = array<i32>} : memref<8x416xi32, #tpu.memory_space<vmem>>, vector<16xi32>,
      tpu.vector_store %arg7[%swap3A_1250, %swap3A_1251], %gather3A_1203 {strides = array<i32>} : memref<8x416xi32, #tpu.memory_space<vmem>>, vector<16xi32>,
      %add3A_1253 = arith.constant 22 : i32
      %add3A_1254 = vector.broadcast %add3A_1253 : i32 to vector<16xi32>
      %add3A_1255 = arith.addi %and3A_6, %add3A_1254 : vector<16xi32>
      %mul3A_1256 = arith.constant 8 : i32
      %mul3A_1257 = arith.muli %scan3A_636, %mul3A_1256 : i32
      %add3A_1258 = vector.broadcast %mul3A_1257 : i32 to vector<16xi32>
      %add3A_1259 = arith.addi %shift_right_arithmetic3A_8, %add3A_1258 : vector<16xi32>
      %gather3A_1260 = tpu.vector_load_idx %arg6[%add3A_1255, %add3A_1259] : memref<26x128xi32, #tpu.memory_space<vmem>>[vector<16xi32>, vector<16xi32>], vector<16xi32>,
      %mul3A_1261 = arith.constant 13 : i32
      %mul3A_1262 = arith.muli %scan3A_636, %mul3A_1261 : i32
      %add3A_1263 = arith.constant 11 : i32
      %add3A_1264 = arith.addi %mul3A_1262, %add3A_1263 : i32
      %jit3A_1265 = arith.constant 26 : i32
      %div3A_1266 = arith.divsi %add3A_1264, %jit3A_1265 : i32
      %sign3A_1267 = arith.constant 0 : i32
      %sign3A_1268 = arith.cmpi sgt, %add3A_1264, %sign3A_1267 : i32
      %sign3A_1269 = arith.extui %sign3A_1268 : i1 to i32
      %sign3A_1270 = arith.constant 0 : i32
      %sign3A_1271 = arith.cmpi slt, %add3A_1264, %sign3A_1270 : i32
      %sign3A_1272 = arith.extui %sign3A_1271 : i1 to i32
      %sign3A_1273 = arith.subi %sign3A_1269, %sign3A_1272 : i32
      %sign3A_1274 = arith.constant 0 : i32
      %sign3A_1275 = arith.cmpi sgt, %jit3A_1265, %sign3A_1274 : i32
      %sign3A_1276 = arith.extui %sign3A_1275 : i1 to i32
      %sign3A_1277 = arith.constant 0 : i32
      %sign3A_1278 = arith.cmpi slt, %jit3A_1265, %sign3A_1277 : i32
      %sign3A_1279 = arith.extui %sign3A_1278 : i1 to i32
      %sign3A_1280 = arith.subi %sign3A_1276, %sign3A_1279 : i32
      %ne3A_1281 = arith.cmpi ne, %sign3A_1273, %sign3A_1280 : i32
      %rem3A_1282 = arith.remsi %add3A_1264, %jit3A_1265 : i32
      %ne3A_1283 = arith.constant 0 : i32
      %ne3A_1284 = arith.cmpi ne, %rem3A_1282, %ne3A_1283 : i32
      %and3A_1285 = arith.andi %ne3A_1281, %ne3A_1284 : i1
      %sub3A_1286 = arith.constant 1 : i32
      %sub3A_1287 = arith.subi %div3A_1266, %sub3A_1286 : i32
      %select_n3A_1288 = arith.select %and3A_1285, %sub3A_1287, %div3A_1266 : i32
      %jit3A_1289 = arith.constant 26 : i32
      %eq3A_1290 = arith.constant 0 : i32
      %eq3A_1291 = arith.cmpi eq, %jit3A_1289, %eq3A_1290 : i32
      %jit3A_1292 = arith.constant 1 : i32
      %select_n3A_1293 = arith.select %eq3A_1291, %jit3A_1292, %jit3A_1289 : i32
      %rem3A_1294 = arith.remsi %add3A_1264, %select_n3A_1293 : i32
      %ne3A_1295 = arith.constant 0 : i32
      %ne3A_1296 = arith.cmpi ne, %rem3A_1294, %ne3A_1295 : i32
      %lt3A_1297 = arith.constant 0 : i32
      %lt3A_1298 = arith.cmpi slt, %rem3A_1294, %lt3A_1297 : i32
      %lt3A_1299 = arith.constant 0 : i32
      %lt3A_1300 = arith.cmpi slt, %select_n3A_1293, %lt3A_1299 : i32
      %ne3A_1301 = arith.xori %lt3A_1298, %lt3A_1300 : i1
      %and3A_1302 = arith.andi %ne3A_1301, %ne3A_1296 : i1
      %add3A_1303 = arith.addi %rem3A_1294, %select_n3A_1293 : i32
      %select_n3A_1304 = arith.select %and3A_1302, %add3A_1303, %rem3A_1294 : i32
      %mul3A_1305 = arith.constant 16 : i32
      %mul3A_1306 = arith.muli %select_n3A_1304, %mul3A_1305 : i32
      %swap3A_1307 = arith.index_cast %select_n3A_1288 : i32 to index
      %swap3A_1308 = arith.index_cast %mul3A_1306 : i32 to index
      %swap3A_1309 = tpu.vector_load %arg7[%swap3A_1307, %swap3A_1308] {strides = array<i32>} : memref<8x416xi32, #tpu.memory_space<vmem>>, vector<16xi32>,
      tpu.vector_store %arg7[%swap3A_1307, %swap3A_1308], %gather3A_1260 {strides = array<i32>} : memref<8x416xi32, #tpu.memory_space<vmem>>, vector<16xi32>,
      %add3A_1310 = arith.constant 24 : i32
      %add3A_1311 = vector.broadcast %add3A_1310 : i32 to vector<16xi32>
      %add3A_1312 = arith.addi %and3A_6, %add3A_1311 : vector<16xi32>
      %mul3A_1313 = arith.constant 8 : i32
      %mul3A_1314 = arith.muli %scan3A_636, %mul3A_1313 : i32
      %add3A_1315 = vector.broadcast %mul3A_1314 : i32 to vector<16xi32>
      %add3A_1316 = arith.addi %shift_right_arithmetic3A_8, %add3A_1315 : vector<16xi32>
      %gather3A_1317 = tpu.vector_load_idx %arg6[%add3A_1312, %add3A_1316] : memref<26x128xi32, #tpu.memory_space<vmem>>[vector<16xi32>, vector<16xi32>], vector<16xi32>,
      %mul3A_1318 = arith.constant 13 : i32
      %mul3A_1319 = arith.muli %scan3A_636, %mul3A_1318 : i32
      %add3A_1320 = arith.constant 12 : i32
      %add3A_1321 = arith.addi %mul3A_1319, %add3A_1320 : i32
      %jit3A_1322 = arith.constant 26 : i32
      %div3A_1323 = arith.divsi %add3A_1321, %jit3A_1322 : i32
      %sign3A_1324 = arith.constant 0 : i32
      %sign3A_1325 = arith.cmpi sgt, %add3A_1321, %sign3A_1324 : i32
      %sign3A_1326 = arith.extui %sign3A_1325 : i1 to i32
      %sign3A_1327 = arith.constant 0 : i32
      %sign3A_1328 = arith.cmpi slt, %add3A_1321, %sign3A_1327 : i32
      %sign3A_1329 = arith.extui %sign3A_1328 : i1 to i32
      %sign3A_1330 = arith.subi %sign3A_1326, %sign3A_1329 : i32
      %sign3A_1331 = arith.constant 0 : i32
      %sign3A_1332 = arith.cmpi sgt, %jit3A_1322, %sign3A_1331 : i32
      %sign3A_1333 = arith.extui %sign3A_1332 : i1 to i32
      %sign3A_1334 = arith.constant 0 : i32
      %sign3A_1335 = arith.cmpi slt, %jit3A_1322, %sign3A_1334 : i32
      %sign3A_1336 = arith.extui %sign3A_1335 : i1 to i32
      %sign3A_1337 = arith.subi %sign3A_1333, %sign3A_1336 : i32
      %ne3A_1338 = arith.cmpi ne, %sign3A_1330, %sign3A_1337 : i32
      %rem3A_1339 = arith.remsi %add3A_1321, %jit3A_1322 : i32
      %ne3A_1340 = arith.constant 0 : i32
      %ne3A_1341 = arith.cmpi ne, %rem3A_1339, %ne3A_1340 : i32
      %and3A_1342 = arith.andi %ne3A_1338, %ne3A_1341 : i1
      %sub3A_1343 = arith.constant 1 : i32
      %sub3A_1344 = arith.subi %div3A_1323, %sub3A_1343 : i32
      %select_n3A_1345 = arith.select %and3A_1342, %sub3A_1344, %div3A_1323 : i32
      %jit3A_1346 = arith.constant 26 : i32
      %eq3A_1347 = arith.constant 0 : i32
      %eq3A_1348 = arith.cmpi eq, %jit3A_1346, %eq3A_1347 : i32
      %jit3A_1349 = arith.constant 1 : i32
      %select_n3A_1350 = arith.select %eq3A_1348, %jit3A_1349, %jit3A_1346 : i32
      %rem3A_1351 = arith.remsi %add3A_1321, %select_n3A_1350 : i32
      %ne3A_1352 = arith.constant 0 : i32
      %ne3A_1353 = arith.cmpi ne, %rem3A_1351, %ne3A_1352 : i32
      %lt3A_1354 = arith.constant 0 : i32
      %lt3A_1355 = arith.cmpi slt, %rem3A_1351, %lt3A_1354 : i32
      %lt3A_1356 = arith.constant 0 : i32
      %lt3A_1357 = arith.cmpi slt, %select_n3A_1350, %lt3A_1356 : i32
      %ne3A_1358 = arith.xori %lt3A_1355, %lt3A_1357 : i1
      %and3A_1359 = arith.andi %ne3A_1358, %ne3A_1353 : i1
      %add3A_1360 = arith.addi %rem3A_1351, %select_n3A_1350 : i32
      %select_n3A_1361 = arith.select %and3A_1359, %add3A_1360, %rem3A_1351 : i32
      %mul3A_1362 = arith.constant 16 : i32
      %mul3A_1363 = arith.muli %select_n3A_1361, %mul3A_1362 : i32
      %swap3A_1364 = arith.index_cast %select_n3A_1345 : i32 to index
      %swap3A_1365 = arith.index_cast %mul3A_1363 : i32 to index
      %swap3A_1366 = tpu.vector_load %arg7[%swap3A_1364, %swap3A_1365] {strides = array<i32>} : memref<8x416xi32, #tpu.memory_space<vmem>>, vector<16xi32>,
      tpu.vector_store %arg7[%swap3A_1364, %swap3A_1365], %gather3A_1317 {strides = array<i32>} : memref<8x416xi32, #tpu.memory_space<vmem>>, vector<16xi32>,
    }
    %scan3A_13 = arith.constant 16 : i32
    %dma_start3A = arith.constant 0 : i32
    %dma_start3A_14 = arith.constant 0 : i32
    %dma_start3A_15 = arith.constant 0 : i32
    %dma_start3A_16 = arith.constant 0 : i32
    %dma_start3A_17 = tpu.memref_slice %arg8[%dma_start3A_14, %dma_start3A_15, %dma_start3A_16] : memref<4x416x64xf32, #tpu.memory_space<vmem>> -> memref<1x416x64xf32, #tpu.memory_space<vmem>>
    %dma_start3A_18 = tpu.memref_squeeze %dma_start3A_17 : memref<1x416x64xf32, #tpu.memory_space<vmem>> -> memref<416x64xf32, #tpu.memory_space<vmem>>
    %dma_start3A_19 = arith.constant 0 : i32
    %dma_start3A_20 = tpu.memref_slice %arg7[%dma_start3A, %dma_start3A_19] : memref<8x416xi32, #tpu.memory_space<vmem>> -> memref<1x416xi32, #tpu.memory_space<vmem>>
    %dma_start3A_21 = tpu.memref_squeeze %dma_start3A_20 : memref<1x416xi32, #tpu.memory_space<vmem>> -> memref<416xi32, #tpu.memory_space<vmem>>
    %dma_start3A_22 = arith.constant 0 : i32
    %dma_start3A_23 = arith.constant 0 : i32
    %dma_start3A_24 = tpu.memref_slice %arg3[%dma_start3A_22, %dma_start3A_23] : memref<100000x64xf32, #tpu.memory_space<hbm>> -> memref<100000x64xf32, #tpu.memory_space<hbm>>
    tpu.enqueue_indirect_dma source(%dma_start3A_24 : memref<100000x64xf32, #tpu.memory_space<hbm>>) target(%dma_start3A_18 : memref<416x64xf32, #tpu.memory_space<vmem>>) offsets(%dma_start3A_21 : memref<416xi32, #tpu.memory_space<vmem>>) semaphore(%arg9 : memref<!tpu.dma_semaphore, #tpu.memory_space<semaphore_mem>>)
    %dma_start3A_25 = arith.constant 1 : i32
    %dma_start3A_26 = arith.constant 1 : i32
    %dma_start3A_27 = arith.constant 0 : i32
    %dma_start3A_28 = arith.constant 0 : i32
    %dma_start3A_29 = tpu.memref_slice %arg8[%dma_start3A_26, %dma_start3A_27, %dma_start3A_28] : memref<4x416x64xf32, #tpu.memory_space<vmem>> -> memref<1x416x64xf32, #tpu.memory_space<vmem>>
    %dma_start3A_30 = tpu.memref_squeeze %dma_start3A_29 : memref<1x416x64xf32, #tpu.memory_space<vmem>> -> memref<416x64xf32, #tpu.memory_space<vmem>>
    %dma_start3A_31 = arith.constant 0 : i32
    %dma_start3A_32 = tpu.memref_slice %arg7[%dma_start3A_25, %dma_start3A_31] : memref<8x416xi32, #tpu.memory_space<vmem>> -> memref<1x416xi32, #tpu.memory_space<vmem>>
    %dma_start3A_33 = tpu.memref_squeeze %dma_start3A_32 : memref<1x416xi32, #tpu.memory_space<vmem>> -> memref<416xi32, #tpu.memory_space<vmem>>
    %dma_start3A_34 = arith.constant 0 : i32
    %dma_start3A_35 = arith.constant 0 : i32
    %dma_start3A_36 = tpu.memref_slice %arg3[%dma_start3A_34, %dma_start3A_35] : memref<100000x64xf32, #tpu.memory_space<hbm>> -> memref<100000x64xf32, #tpu.memory_space<hbm>>
    tpu.enqueue_indirect_dma source(%dma_start3A_36 : memref<100000x64xf32, #tpu.memory_space<hbm>>) target(%dma_start3A_30 : memref<416x64xf32, #tpu.memory_space<vmem>>) offsets(%dma_start3A_33 : memref<416xi32, #tpu.memory_space<vmem>>) semaphore(%arg10 : memref<!tpu.dma_semaphore, #tpu.memory_space<semaphore_mem>>)
    %dma_start3A_37 = arith.constant 2 : i32
    %dma_start3A_38 = arith.constant 2 : i32
    %dma_start3A_39 = arith.constant 0 : i32
    %dma_start3A_40 = arith.constant 0 : i32
    %dma_start3A_41 = tpu.memref_slice %arg8[%dma_start3A_38, %dma_start3A_39, %dma_start3A_40] : memref<4x416x64xf32, #tpu.memory_space<vmem>> -> memref<1x416x64xf32, #tpu.memory_space<vmem>>
    %dma_start3A_42 = tpu.memref_squeeze %dma_start3A_41 : memref<1x416x64xf32, #tpu.memory_space<vmem>> -> memref<416x64xf32, #tpu.memory_space<vmem>>
    %dma_start3A_43 = arith.constant 0 : i32
    %dma_start3A_44 = tpu.memref_slice %arg7[%dma_start3A_37, %dma_start3A_43] : memref<8x416xi32, #tpu.memory_space<vmem>> -> memref<1x416xi32, #tpu.memory_space<vmem>>
    %dma_start3A_45 = tpu.memref_squeeze %dma_start3A_44 : memref<1x416xi32, #tpu.memory_space<vmem>> -> memref<416xi32, #tpu.memory_space<vmem>>
    %dma_start3A_46 = arith.constant 0 : i32
    %dma_start3A_47 = arith.constant 0 : i32
    %dma_start3A_48 = tpu.memref_slice %arg3[%dma_start3A_46, %dma_start3A_47] : memref<100000x64xf32, #tpu.memory_space<hbm>> -> memref<100000x64xf32, #tpu.memory_space<hbm>>
    tpu.enqueue_indirect_dma source(%dma_start3A_48 : memref<100000x64xf32, #tpu.memory_space<hbm>>) target(%dma_start3A_42 : memref<416x64xf32, #tpu.memory_space<vmem>>) offsets(%dma_start3A_45 : memref<416xi32, #tpu.memory_space<vmem>>) semaphore(%arg11 : memref<!tpu.dma_semaphore, #tpu.memory_space<semaphore_mem>>)
    %dma_start3A_49 = arith.constant 3 : i32
    %dma_start3A_50 = arith.constant 3 : i32
    %dma_start3A_51 = arith.constant 0 : i32
    %dma_start3A_52 = arith.constant 0 : i32
    %dma_start3A_53 = tpu.memref_slice %arg8[%dma_start3A_50, %dma_start3A_51, %dma_start3A_52] : memref<4x416x64xf32, #tpu.memory_space<vmem>> -> memref<1x416x64xf32, #tpu.memory_space<vmem>>
    %dma_start3A_54 = tpu.memref_squeeze %dma_start3A_53 : memref<1x416x64xf32, #tpu.memory_space<vmem>> -> memref<416x64xf32, #tpu.memory_space<vmem>>
    %dma_start3A_55 = arith.constant 0 : i32
    %dma_start3A_56 = tpu.memref_slice %arg7[%dma_start3A_49, %dma_start3A_55] : memref<8x416xi32, #tpu.memory_space<vmem>> -> memref<1x416xi32, #tpu.memory_space<vmem>>
    %dma_start3A_57 = tpu.memref_squeeze %dma_start3A_56 : memref<1x416xi32, #tpu.memory_space<vmem>> -> memref<416xi32, #tpu.memory_space<vmem>>
    %dma_start3A_58 = arith.constant 0 : i32
    %dma_start3A_59 = arith.constant 0 : i32
    %dma_start3A_60 = tpu.memref_slice %arg3[%dma_start3A_58, %dma_start3A_59] : memref<100000x64xf32, #tpu.memory_space<hbm>> -> memref<100000x64xf32, #tpu.memory_space<hbm>>
    tpu.enqueue_indirect_dma source(%dma_start3A_60 : memref<100000x64xf32, #tpu.memory_space<hbm>>) target(%dma_start3A_54 : memref<416x64xf32, #tpu.memory_space<vmem>>) offsets(%dma_start3A_57 : memref<416xi32, #tpu.memory_space<vmem>>) semaphore(%arg12 : memref<!tpu.dma_semaphore, #tpu.memory_space<semaphore_mem>>)
    %dma_wait3A = arith.constant 0 : i32
    %dma_wait3A_61 = arith.constant 0 : i32
    %dma_wait3A_62 = arith.constant 0 : i32
    %dma_wait3A_63 = arith.constant 0 : i32
    %dma_wait3A_64 = tpu.memref_slice %arg8[%dma_wait3A_61, %dma_wait3A_62, %dma_wait3A_63] : memref<4x416x64xf32, #tpu.memory_space<vmem>> -> memref<1x416x64xf32, #tpu.memory_space<vmem>>
    %dma_wait3A_65 = tpu.memref_squeeze %dma_wait3A_64 : memref<1x416x64xf32, #tpu.memory_space<vmem>> -> memref<416x64xf32, #tpu.memory_space<vmem>>
    %dma_wait3A_66 = arith.constant 0 : i32
    %dma_wait3A_67 = tpu.memref_slice %arg7[%dma_wait3A, %dma_wait3A_66] : memref<8x416xi32, #tpu.memory_space<vmem>> -> memref<1x416xi32, #tpu.memory_space<vmem>>
    %dma_wait3A_68 = tpu.memref_squeeze %dma_wait3A_67 : memref<1x416xi32, #tpu.memory_space<vmem>> -> memref<416xi32, #tpu.memory_space<vmem>>
    %dma_wait3A_69 = arith.constant 0 : i32
    %dma_wait3A_70 = arith.constant 0 : i32
    %dma_wait3A_71 = tpu.memref_slice %arg3[%dma_wait3A_69, %dma_wait3A_70] : memref<100000x64xf32, #tpu.memory_space<hbm>> -> memref<100000x64xf32, #tpu.memory_space<hbm>>
    tpu.wait_indirect_dma semaphore(%arg9 : memref<!tpu.dma_semaphore, #tpu.memory_space<semaphore_mem>>) src(%dma_wait3A_71 : memref<100000x64xf32, #tpu.memory_space<hbm>>) dst(%dma_wait3A_65 : memref<416x64xf32, #tpu.memory_space<vmem>>)
    %add3A_72 = arith.constant 0 : i32
    %add3A_73 = arith.addi %mul3A_2, %add3A_72 : i32
    %dma_start3A_74 = arith.constant 0 : i32
    %dma_start3A_75 = arith.constant 0 : i32
    %dma_start3A_76 = arith.constant 0 : i32
    %dma_start3A_77 = tpu.memref_slice %arg8[%dma_start3A_74, %dma_start3A_75, %dma_start3A_76] : memref<4x416x64xf32, #tpu.memory_space<vmem>> -> memref<1x416x64xf32, #tpu.memory_space<vmem>>
    %dma_start3A_78 = tpu.memref_squeeze %dma_start3A_77 : memref<1x416x64xf32, #tpu.memory_space<vmem>> -> memref<416x64xf32, #tpu.memory_space<vmem>>
    %dma_start3A_79 = arith.constant 0 : i32
    %dma_start3A_80 = tpu.memref_slice %arg4[%add3A_73, %dma_start3A_79] : memref<106496x64xf32, #tpu.memory_space<hbm>> -> memref<416x64xf32, #tpu.memory_space<hbm>>
    %dma_start3A_81 = arith.constant 0 : i32
    %dma_start3A_82 = tpu.memref_slice %arg4[%add3A_73, %dma_start3A_81] : memref<106496x64xf32, #tpu.memory_space<hbm>> -> memref<416x64xf32, #tpu.memory_space<hbm>>
    %dma_start3A_83 = arith.constant 0 : i32
    %dma_start3A_84 = arith.constant 0 : i32
    %dma_start3A_85 = tpu.memref_slice %arg8[%dma_start3A_74, %dma_start3A_83, %dma_start3A_84] : memref<4x416x64xf32, #tpu.memory_space<vmem>> -> memref<1x416x64xf32, #tpu.memory_space<vmem>>
    %dma_start3A_86 = tpu.memref_squeeze %dma_start3A_85 : memref<1x416x64xf32, #tpu.memory_space<vmem>> -> memref<416x64xf32, #tpu.memory_space<vmem>>
    tpu.enqueue_dma source(%dma_start3A_86 : memref<416x64xf32, #tpu.memory_space<vmem>>) target(%dma_start3A_82 : memref<416x64xf32, #tpu.memory_space<hbm>>) target_semaphore(%arg13 : memref<!tpu.dma_semaphore, #tpu.memory_space<semaphore_mem>>)
    %dma_start3A_87 = arith.constant 0 : i32
    %dma_start3A_88 = arith.constant 0 : i32
    %dma_start3A_89 = arith.constant 0 : i32
    %dma_start3A_90 = tpu.memref_slice %arg8[%dma_start3A_87, %dma_start3A_88, %dma_start3A_89] : memref<4x416x64xf32, #tpu.memory_space<vmem>> -> memref<1x416x64xf32, #tpu.memory_space<vmem>>
    %dma_start3A_91 = tpu.memref_squeeze %dma_start3A_90 : memref<1x416x64xf32, #tpu.memory_space<vmem>> -> memref<416x64xf32, #tpu.memory_space<vmem>>
    %dma_start3A_92 = arith.constant 0 : i32
    %dma_start3A_93 = tpu.memref_slice %arg5[%add3A_73, %dma_start3A_92] : memref<106496x64xf32, #tpu.memory_space<hbm>> -> memref<416x64xf32, #tpu.memory_space<hbm>>
    %dma_start3A_94 = arith.constant 0 : i32
    %dma_start3A_95 = tpu.memref_slice %arg5[%add3A_73, %dma_start3A_94] : memref<106496x64xf32, #tpu.memory_space<hbm>> -> memref<416x64xf32, #tpu.memory_space<hbm>>
    %dma_start3A_96 = arith.constant 0 : i32
    %dma_start3A_97 = arith.constant 0 : i32
    %dma_start3A_98 = tpu.memref_slice %arg8[%dma_start3A_87, %dma_start3A_96, %dma_start3A_97] : memref<4x416x64xf32, #tpu.memory_space<vmem>> -> memref<1x416x64xf32, #tpu.memory_space<vmem>>
    %dma_start3A_99 = tpu.memref_squeeze %dma_start3A_98 : memref<1x416x64xf32, #tpu.memory_space<vmem>> -> memref<416x64xf32, #tpu.memory_space<vmem>>
    tpu.enqueue_dma source(%dma_start3A_99 : memref<416x64xf32, #tpu.memory_space<vmem>>) target(%dma_start3A_95 : memref<416x64xf32, #tpu.memory_space<hbm>>) target_semaphore(%arg13 : memref<!tpu.dma_semaphore, #tpu.memory_space<semaphore_mem>>)
    %dma_wait3A_100 = arith.constant 0 : i32
    %dma_wait3A_101 = arith.constant 0 : i32
    %dma_wait3A_102 = arith.constant 0 : i32
    %dma_wait3A_103 = tpu.memref_slice %arg8[%dma_wait3A_100, %dma_wait3A_101, %dma_wait3A_102] : memref<4x416x64xf32, #tpu.memory_space<vmem>> -> memref<1x416x64xf32, #tpu.memory_space<vmem>>
    %dma_wait3A_104 = tpu.memref_squeeze %dma_wait3A_103 : memref<1x416x64xf32, #tpu.memory_space<vmem>> -> memref<416x64xf32, #tpu.memory_space<vmem>>
    %dma_wait3A_105 = arith.constant 0 : i32
    %dma_wait3A_106 = tpu.memref_slice %arg4[%add3A_73, %dma_wait3A_105] : memref<106496x64xf32, #tpu.memory_space<hbm>> -> memref<416x64xf32, #tpu.memory_space<hbm>>
    %dma_wait3A_107 = arith.constant 0 : i32
    %dma_wait3A_108 = tpu.memref_slice %arg4[%add3A_73, %dma_wait3A_107] : memref<106496x64xf32, #tpu.memory_space<hbm>> -> memref<416x64xf32, #tpu.memory_space<hbm>>
    %dma_wait3A_109 = arith.constant 0 : i32
    %dma_wait3A_110 = arith.constant 0 : i32
    %dma_wait3A_111 = tpu.memref_slice %arg8[%dma_wait3A_100, %dma_wait3A_109, %dma_wait3A_110] : memref<4x416x64xf32, #tpu.memory_space<vmem>> -> memref<1x416x64xf32, #tpu.memory_space<vmem>>
    %dma_wait3A_112 = tpu.memref_squeeze %dma_wait3A_111 : memref<1x416x64xf32, #tpu.memory_space<vmem>> -> memref<416x64xf32, #tpu.memory_space<vmem>>
    tpu.wait_dma2 semaphore(%arg13 : memref<!tpu.dma_semaphore, #tpu.memory_space<semaphore_mem>>) src(%dma_wait3A_112 : memref<416x64xf32, #tpu.memory_space<vmem>>) dst(%dma_wait3A_108 : memref<416x64xf32, #tpu.memory_space<hbm>>)
    %dma_wait3A_113 = arith.constant 0 : i32
    %dma_wait3A_114 = arith.constant 0 : i32
    %dma_wait3A_115 = arith.constant 0 : i32
    %dma_wait3A_116 = tpu.memref_slice %arg8[%dma_wait3A_113, %dma_wait3A_114, %dma_wait3A_115] : memref<4x416x64xf32, #tpu.memory_space<vmem>> -> memref<1x416x64xf32, #tpu.memory_space<vmem>>
    %dma_wait3A_117 = tpu.memref_squeeze %dma_wait3A_116 : memref<1x416x64xf32, #tpu.memory_space<vmem>> -> memref<416x64xf32, #tpu.memory_space<vmem>>
    %dma_wait3A_118 = arith.constant 0 : i32
    %dma_wait3A_119 = tpu.memref_slice %arg5[%add3A_73, %dma_wait3A_118] : memref<106496x64xf32, #tpu.memory_space<hbm>> -> memref<416x64xf32, #tpu.memory_space<hbm>>
    %dma_wait3A_120 = arith.constant 0 : i32
    %dma_wait3A_121 = tpu.memref_slice %arg5[%add3A_73, %dma_wait3A_120] : memref<106496x64xf32, #tpu.memory_space<hbm>> -> memref<416x64xf32, #tpu.memory_space<hbm>>
    %dma_wait3A_122 = arith.constant 0 : i32
    %dma_wait3A_123 = arith.constant 0 : i32
    %dma_wait3A_124 = tpu.memref_slice %arg8[%dma_wait3A_113, %dma_wait3A_122, %dma_wait3A_123] : memref<4x416x64xf32, #tpu.memory_space<vmem>> -> memref<1x416x64xf32, #tpu.memory_space<vmem>>
    %dma_wait3A_125 = tpu.memref_squeeze %dma_wait3A_124 : memref<1x416x64xf32, #tpu.memory_space<vmem>> -> memref<416x64xf32, #tpu.memory_space<vmem>>
    tpu.wait_dma2 semaphore(%arg13 : memref<!tpu.dma_semaphore, #tpu.memory_space<semaphore_mem>>) src(%dma_wait3A_125 : memref<416x64xf32, #tpu.memory_space<vmem>>) dst(%dma_wait3A_121 : memref<416x64xf32, #tpu.memory_space<hbm>>)
    %dma_start3A_126 = arith.constant 4 : i32
    %dma_start3A_127 = arith.constant 0 : i32
    %dma_start3A_128 = arith.constant 0 : i32
    %dma_start3A_129 = arith.constant 0 : i32
    %dma_start3A_130 = tpu.memref_slice %arg8[%dma_start3A_127, %dma_start3A_128, %dma_start3A_129] : memref<4x416x64xf32, #tpu.memory_space<vmem>> -> memref<1x416x64xf32, #tpu.memory_space<vmem>>
    %dma_start3A_131 = tpu.memref_squeeze %dma_start3A_130 : memref<1x416x64xf32, #tpu.memory_space<vmem>> -> memref<416x64xf32, #tpu.memory_space<vmem>>
    %dma_start3A_132 = arith.constant 0 : i32
    %dma_start3A_133 = tpu.memref_slice %arg7[%dma_start3A_126, %dma_start3A_132] : memref<8x416xi32, #tpu.memory_space<vmem>> -> memref<1x416xi32, #tpu.memory_space<vmem>>
    %dma_start3A_134 = tpu.memref_squeeze %dma_start3A_133 : memref<1x416xi32, #tpu.memory_space<vmem>> -> memref<416xi32, #tpu.memory_space<vmem>>
    %dma_start3A_135 = arith.constant 0 : i32
    %dma_start3A_136 = arith.constant 0 : i32
    %dma_start3A_137 = tpu.memref_slice %arg3[%dma_start3A_135, %dma_start3A_136] : memref<100000x64xf32, #tpu.memory_space<hbm>> -> memref<100000x64xf32, #tpu.memory_space<hbm>>
    tpu.enqueue_indirect_dma source(%dma_start3A_137 : memref<100000x64xf32, #tpu.memory_space<hbm>>) target(%dma_start3A_131 : memref<416x64xf32, #tpu.memory_space<vmem>>) offsets(%dma_start3A_134 : memref<416xi32, #tpu.memory_space<vmem>>) semaphore(%arg9 : memref<!tpu.dma_semaphore, #tpu.memory_space<semaphore_mem>>)
    %dma_wait3A_138 = arith.constant 1 : i32
    %dma_wait3A_139 = arith.constant 1 : i32
    %dma_wait3A_140 = arith.constant 0 : i32
    %dma_wait3A_141 = arith.constant 0 : i32
    %dma_wait3A_142 = tpu.memref_slice %arg8[%dma_wait3A_139, %dma_wait3A_140, %dma_wait3A_141] : memref<4x416x64xf32, #tpu.memory_space<vmem>> -> memref<1x416x64xf32, #tpu.memory_space<vmem>>
    %dma_wait3A_143 = tpu.memref_squeeze %dma_wait3A_142 : memref<1x416x64xf32, #tpu.memory_space<vmem>> -> memref<416x64xf32, #tpu.memory_space<vmem>>
    %dma_wait3A_144 = arith.constant 0 : i32
    %dma_wait3A_145 = tpu.memref_slice %arg7[%dma_wait3A_138, %dma_wait3A_144] : memref<8x416xi32, #tpu.memory_space<vmem>> -> memref<1x416xi32, #tpu.memory_space<vmem>>
    %dma_wait3A_146 = tpu.memref_squeeze %dma_wait3A_145 : memref<1x416xi32, #tpu.memory_space<vmem>> -> memref<416xi32, #tpu.memory_space<vmem>>
    %dma_wait3A_147 = arith.constant 0 : i32
    %dma_wait3A_148 = arith.constant 0 : i32
    %dma_wait3A_149 = tpu.memref_slice %arg3[%dma_wait3A_147, %dma_wait3A_148] : memref<100000x64xf32, #tpu.memory_space<hbm>> -> memref<100000x64xf32, #tpu.memory_space<hbm>>
    tpu.wait_indirect_dma semaphore(%arg10 : memref<!tpu.dma_semaphore, #tpu.memory_space<semaphore_mem>>) src(%dma_wait3A_149 : memref<100000x64xf32, #tpu.memory_space<hbm>>) dst(%dma_wait3A_143 : memref<416x64xf32, #tpu.memory_space<vmem>>)
    %add3A_150 = arith.constant 416 : i32
    %add3A_151 = arith.addi %mul3A_2, %add3A_150 : i32
    %dma_start3A_152 = arith.constant 1 : i32
    %dma_start3A_153 = arith.constant 0 : i32
    %dma_start3A_154 = arith.constant 0 : i32
    %dma_start3A_155 = tpu.memref_slice %arg8[%dma_start3A_152, %dma_start3A_153, %dma_start3A_154] : memref<4x416x64xf32, #tpu.memory_space<vmem>> -> memref<1x416x64xf32, #tpu.memory_space<vmem>>
    %dma_start3A_156 = tpu.memref_squeeze %dma_start3A_155 : memref<1x416x64xf32, #tpu.memory_space<vmem>> -> memref<416x64xf32, #tpu.memory_space<vmem>>
    %dma_start3A_157 = arith.constant 0 : i32
    %dma_start3A_158 = tpu.memref_slice %arg4[%add3A_151, %dma_start3A_157] : memref<106496x64xf32, #tpu.memory_space<hbm>> -> memref<416x64xf32, #tpu.memory_space<hbm>>
    %dma_start3A_159 = arith.constant 0 : i32
    %dma_start3A_160 = tpu.memref_slice %arg4[%add3A_151, %dma_start3A_159] : memref<106496x64xf32, #tpu.memory_space<hbm>> -> memref<416x64xf32, #tpu.memory_space<hbm>>
    %dma_start3A_161 = arith.constant 0 : i32
    %dma_start3A_162 = arith.constant 0 : i32
    %dma_start3A_163 = tpu.memref_slice %arg8[%dma_start3A_152, %dma_start3A_161, %dma_start3A_162] : memref<4x416x64xf32, #tpu.memory_space<vmem>> -> memref<1x416x64xf32, #tpu.memory_space<vmem>>
    %dma_start3A_164 = tpu.memref_squeeze %dma_start3A_163 : memref<1x416x64xf32, #tpu.memory_space<vmem>> -> memref<416x64xf32, #tpu.memory_space<vmem>>
    tpu.enqueue_dma source(%dma_start3A_164 : memref<416x64xf32, #tpu.memory_space<vmem>>) target(%dma_start3A_160 : memref<416x64xf32, #tpu.memory_space<hbm>>) target_semaphore(%arg14 : memref<!tpu.dma_semaphore, #tpu.memory_space<semaphore_mem>>)
    %dma_start3A_165 = arith.constant 1 : i32
    %dma_start3A_166 = arith.constant 0 : i32
    %dma_start3A_167 = arith.constant 0 : i32
    %dma_start3A_168 = tpu.memref_slice %arg8[%dma_start3A_165, %dma_start3A_166, %dma_start3A_167] : memref<4x416x64xf32, #tpu.memory_space<vmem>> -> memref<1x416x64xf32, #tpu.memory_space<vmem>>
    %dma_start3A_169 = tpu.memref_squeeze %dma_start3A_168 : memref<1x416x64xf32, #tpu.memory_space<vmem>> -> memref<416x64xf32, #tpu.memory_space<vmem>>
    %dma_start3A_170 = arith.constant 0 : i32
    %dma_start3A_171 = tpu.memref_slice %arg5[%add3A_151, %dma_start3A_170] : memref<106496x64xf32, #tpu.memory_space<hbm>> -> memref<416x64xf32, #tpu.memory_space<hbm>>
    %dma_start3A_172 = arith.constant 0 : i32
    %dma_start3A_173 = tpu.memref_slice %arg5[%add3A_151, %dma_start3A_172] : memref<106496x64xf32, #tpu.memory_space<hbm>> -> memref<416x64xf32, #tpu.memory_space<hbm>>
    %dma_start3A_174 = arith.constant 0 : i32
    %dma_start3A_175 = arith.constant 0 : i32
    %dma_start3A_176 = tpu.memref_slice %arg8[%dma_start3A_165, %dma_start3A_174, %dma_start3A_175] : memref<4x416x64xf32, #tpu.memory_space<vmem>> -> memref<1x416x64xf32, #tpu.memory_space<vmem>>
    %dma_start3A_177 = tpu.memref_squeeze %dma_start3A_176 : memref<1x416x64xf32, #tpu.memory_space<vmem>> -> memref<416x64xf32, #tpu.memory_space<vmem>>
    tpu.enqueue_dma source(%dma_start3A_177 : memref<416x64xf32, #tpu.memory_space<vmem>>) target(%dma_start3A_173 : memref<416x64xf32, #tpu.memory_space<hbm>>) target_semaphore(%arg14 : memref<!tpu.dma_semaphore, #tpu.memory_space<semaphore_mem>>)
    %dma_wait3A_178 = arith.constant 1 : i32
    %dma_wait3A_179 = arith.constant 0 : i32
    %dma_wait3A_180 = arith.constant 0 : i32
    %dma_wait3A_181 = tpu.memref_slice %arg8[%dma_wait3A_178, %dma_wait3A_179, %dma_wait3A_180] : memref<4x416x64xf32, #tpu.memory_space<vmem>> -> memref<1x416x64xf32, #tpu.memory_space<vmem>>
    %dma_wait3A_182 = tpu.memref_squeeze %dma_wait3A_181 : memref<1x416x64xf32, #tpu.memory_space<vmem>> -> memref<416x64xf32, #tpu.memory_space<vmem>>
    %dma_wait3A_183 = arith.constant 0 : i32
    %dma_wait3A_184 = tpu.memref_slice %arg4[%add3A_151, %dma_wait3A_183] : memref<106496x64xf32, #tpu.memory_space<hbm>> -> memref<416x64xf32, #tpu.memory_space<hbm>>
    %dma_wait3A_185 = arith.constant 0 : i32
    %dma_wait3A_186 = tpu.memref_slice %arg4[%add3A_151, %dma_wait3A_185] : memref<106496x64xf32, #tpu.memory_space<hbm>> -> memref<416x64xf32, #tpu.memory_space<hbm>>
    %dma_wait3A_187 = arith.constant 0 : i32
    %dma_wait3A_188 = arith.constant 0 : i32
    %dma_wait3A_189 = tpu.memref_slice %arg8[%dma_wait3A_178, %dma_wait3A_187, %dma_wait3A_188] : memref<4x416x64xf32, #tpu.memory_space<vmem>> -> memref<1x416x64xf32, #tpu.memory_space<vmem>>
    %dma_wait3A_190 = tpu.memref_squeeze %dma_wait3A_189 : memref<1x416x64xf32, #tpu.memory_space<vmem>> -> memref<416x64xf32, #tpu.memory_space<vmem>>
    tpu.wait_dma2 semaphore(%arg14 : memref<!tpu.dma_semaphore, #tpu.memory_space<semaphore_mem>>) src(%dma_wait3A_190 : memref<416x64xf32, #tpu.memory_space<vmem>>) dst(%dma_wait3A_186 : memref<416x64xf32, #tpu.memory_space<hbm>>)
    %dma_wait3A_191 = arith.constant 1 : i32
    %dma_wait3A_192 = arith.constant 0 : i32
    %dma_wait3A_193 = arith.constant 0 : i32
    %dma_wait3A_194 = tpu.memref_slice %arg8[%dma_wait3A_191, %dma_wait3A_192, %dma_wait3A_193] : memref<4x416x64xf32, #tpu.memory_space<vmem>> -> memref<1x416x64xf32, #tpu.memory_space<vmem>>
    %dma_wait3A_195 = tpu.memref_squeeze %dma_wait3A_194 : memref<1x416x64xf32, #tpu.memory_space<vmem>> -> memref<416x64xf32, #tpu.memory_space<vmem>>
    %dma_wait3A_196 = arith.constant 0 : i32
    %dma_wait3A_197 = tpu.memref_slice %arg5[%add3A_151, %dma_wait3A_196] : memref<106496x64xf32, #tpu.memory_space<hbm>> -> memref<416x64xf32, #tpu.memory_space<hbm>>
    %dma_wait3A_198 = arith.constant 0 : i32
    %dma_wait3A_199 = tpu.memref_slice %arg5[%add3A_151, %dma_wait3A_198] : memref<106496x64xf32, #tpu.memory_space<hbm>> -> memref<416x64xf32, #tpu.memory_space<hbm>>
    %dma_wait3A_200 = arith.constant 0 : i32
    %dma_wait3A_201 = arith.constant 0 : i32
    %dma_wait3A_202 = tpu.memref_slice %arg8[%dma_wait3A_191, %dma_wait3A_200, %dma_wait3A_201] : memref<4x416x64xf32, #tpu.memory_space<vmem>> -> memref<1x416x64xf32, #tpu.memory_space<vmem>>
    %dma_wait3A_203 = tpu.memref_squeeze %dma_wait3A_202 : memref<1x416x64xf32, #tpu.memory_space<vmem>> -> memref<416x64xf32, #tpu.memory_space<vmem>>
    tpu.wait_dma2 semaphore(%arg14 : memref<!tpu.dma_semaphore, #tpu.memory_space<semaphore_mem>>) src(%dma_wait3A_203 : memref<416x64xf32, #tpu.memory_space<vmem>>) dst(%dma_wait3A_199 : memref<416x64xf32, #tpu.memory_space<hbm>>)
    %dma_start3A_204 = arith.constant 5 : i32
    %dma_start3A_205 = arith.constant 1 : i32
    %dma_start3A_206 = arith.constant 0 : i32
    %dma_start3A_207 = arith.constant 0 : i32
    %dma_start3A_208 = tpu.memref_slice %arg8[%dma_start3A_205, %dma_start3A_206, %dma_start3A_207] : memref<4x416x64xf32, #tpu.memory_space<vmem>> -> memref<1x416x64xf32, #tpu.memory_space<vmem>>
    %dma_start3A_209 = tpu.memref_squeeze %dma_start3A_208 : memref<1x416x64xf32, #tpu.memory_space<vmem>> -> memref<416x64xf32, #tpu.memory_space<vmem>>
    %dma_start3A_210 = arith.constant 0 : i32
    %dma_start3A_211 = tpu.memref_slice %arg7[%dma_start3A_204, %dma_start3A_210] : memref<8x416xi32, #tpu.memory_space<vmem>> -> memref<1x416xi32, #tpu.memory_space<vmem>>
    %dma_start3A_212 = tpu.memref_squeeze %dma_start3A_211 : memref<1x416xi32, #tpu.memory_space<vmem>> -> memref<416xi32, #tpu.memory_space<vmem>>
    %dma_start3A_213 = arith.constant 0 : i32
    %dma_start3A_214 = arith.constant 0 : i32
    %dma_start3A_215 = tpu.memref_slice %arg3[%dma_start3A_213, %dma_start3A_214] : memref<100000x64xf32, #tpu.memory_space<hbm>> -> memref<100000x64xf32, #tpu.memory_space<hbm>>
    tpu.enqueue_indirect_dma source(%dma_start3A_215 : memref<100000x64xf32, #tpu.memory_space<hbm>>) target(%dma_start3A_209 : memref<416x64xf32, #tpu.memory_space<vmem>>) offsets(%dma_start3A_212 : memref<416xi32, #tpu.memory_space<vmem>>) semaphore(%arg10 : memref<!tpu.dma_semaphore, #tpu.memory_space<semaphore_mem>>)
    %dma_wait3A_216 = arith.constant 2 : i32
    %dma_wait3A_217 = arith.constant 2 : i32
    %dma_wait3A_218 = arith.constant 0 : i32
    %dma_wait3A_219 = arith.constant 0 : i32
    %dma_wait3A_220 = tpu.memref_slice %arg8[%dma_wait3A_217, %dma_wait3A_218, %dma_wait3A_219] : memref<4x416x64xf32, #tpu.memory_space<vmem>> -> memref<1x416x64xf32, #tpu.memory_space<vmem>>
    %dma_wait3A_221 = tpu.memref_squeeze %dma_wait3A_220 : memref<1x416x64xf32, #tpu.memory_space<vmem>> -> memref<416x64xf32, #tpu.memory_space<vmem>>
    %dma_wait3A_222 = arith.constant 0 : i32
    %dma_wait3A_223 = tpu.memref_slice %arg7[%dma_wait3A_216, %dma_wait3A_222] : memref<8x416xi32, #tpu.memory_space<vmem>> -> memref<1x416xi32, #tpu.memory_space<vmem>>
    %dma_wait3A_224 = tpu.memref_squeeze %dma_wait3A_223 : memref<1x416xi32, #tpu.memory_space<vmem>> -> memref<416xi32, #tpu.memory_space<vmem>>
    %dma_wait3A_225 = arith.constant 0 : i32
    %dma_wait3A_226 = arith.constant 0 : i32
    %dma_wait3A_227 = tpu.memref_slice %arg3[%dma_wait3A_225, %dma_wait3A_226] : memref<100000x64xf32, #tpu.memory_space<hbm>> -> memref<100000x64xf32, #tpu.memory_space<hbm>>
    tpu.wait_indirect_dma semaphore(%arg11 : memref<!tpu.dma_semaphore, #tpu.memory_space<semaphore_mem>>) src(%dma_wait3A_227 : memref<100000x64xf32, #tpu.memory_space<hbm>>) dst(%dma_wait3A_221 : memref<416x64xf32, #tpu.memory_space<vmem>>)
    %add3A_228 = arith.constant 832 : i32
    %add3A_229 = arith.addi %mul3A_2, %add3A_228 : i32
    %dma_start3A_230 = arith.constant 2 : i32
    %dma_start3A_231 = arith.constant 0 : i32
    %dma_start3A_232 = arith.constant 0 : i32
    %dma_start3A_233 = tpu.memref_slice %arg8[%dma_start3A_230, %dma_start3A_231, %dma_start3A_232] : memref<4x416x64xf32, #tpu.memory_space<vmem>> -> memref<1x416x64xf32, #tpu.memory_space<vmem>>
    %dma_start3A_234 = tpu.memref_squeeze %dma_start3A_233 : memref<1x416x64xf32, #tpu.memory_space<vmem>> -> memref<416x64xf32, #tpu.memory_space<vmem>>
    %dma_start3A_235 = arith.constant 0 : i32
    %dma_start3A_236 = tpu.memref_slice %arg4[%add3A_229, %dma_start3A_235] : memref<106496x64xf32, #tpu.memory_space<hbm>> -> memref<416x64xf32, #tpu.memory_space<hbm>>
    %dma_start3A_237 = arith.constant 0 : i32
    %dma_start3A_238 = tpu.memref_slice %arg4[%add3A_229, %dma_start3A_237] : memref<106496x64xf32, #tpu.memory_space<hbm>> -> memref<416x64xf32, #tpu.memory_space<hbm>>
    %dma_start3A_239 = arith.constant 0 : i32
    %dma_start3A_240 = arith.constant 0 : i32
    %dma_start3A_241 = tpu.memref_slice %arg8[%dma_start3A_230, %dma_start3A_239, %dma_start3A_240] : memref<4x416x64xf32, #tpu.memory_space<vmem>> -> memref<1x416x64xf32, #tpu.memory_space<vmem>>
    %dma_start3A_242 = tpu.memref_squeeze %dma_start3A_241 : memref<1x416x64xf32, #tpu.memory_space<vmem>> -> memref<416x64xf32, #tpu.memory_space<vmem>>
    tpu.enqueue_dma source(%dma_start3A_242 : memref<416x64xf32, #tpu.memory_space<vmem>>) target(%dma_start3A_238 : memref<416x64xf32, #tpu.memory_space<hbm>>) target_semaphore(%arg15 : memref<!tpu.dma_semaphore, #tpu.memory_space<semaphore_mem>>)
    %dma_start3A_243 = arith.constant 2 : i32
    %dma_start3A_244 = arith.constant 0 : i32
    %dma_start3A_245 = arith.constant 0 : i32
    %dma_start3A_246 = tpu.memref_slice %arg8[%dma_start3A_243, %dma_start3A_244, %dma_start3A_245] : memref<4x416x64xf32, #tpu.memory_space<vmem>> -> memref<1x416x64xf32, #tpu.memory_space<vmem>>
    %dma_start3A_247 = tpu.memref_squeeze %dma_start3A_246 : memref<1x416x64xf32, #tpu.memory_space<vmem>> -> memref<416x64xf32, #tpu.memory_space<vmem>>
    %dma_start3A_248 = arith.constant 0 : i32
    %dma_start3A_249 = tpu.memref_slice %arg5[%add3A_229, %dma_start3A_248] : memref<106496x64xf32, #tpu.memory_space<hbm>> -> memref<416x64xf32, #tpu.memory_space<hbm>>
    %dma_start3A_250 = arith.constant 0 : i32
    %dma_start3A_251 = tpu.memref_slice %arg5[%add3A_229, %dma_start3A_250] : memref<106496x64xf32, #tpu.memory_space<hbm>> -> memref<416x64xf32, #tpu.memory_space<hbm>>
    %dma_start3A_252 = arith.constant 0 : i32
    %dma_start3A_253 = arith.constant 0 : i32
    %dma_start3A_254 = tpu.memref_slice %arg8[%dma_start3A_243, %dma_start3A_252, %dma_start3A_253] : memref<4x416x64xf32, #tpu.memory_space<vmem>> -> memref<1x416x64xf32, #tpu.memory_space<vmem>>
    %dma_start3A_255 = tpu.memref_squeeze %dma_start3A_254 : memref<1x416x64xf32, #tpu.memory_space<vmem>> -> memref<416x64xf32, #tpu.memory_space<vmem>>
    tpu.enqueue_dma source(%dma_start3A_255 : memref<416x64xf32, #tpu.memory_space<vmem>>) target(%dma_start3A_251 : memref<416x64xf32, #tpu.memory_space<hbm>>) target_semaphore(%arg15 : memref<!tpu.dma_semaphore, #tpu.memory_space<semaphore_mem>>)
    %dma_wait3A_256 = arith.constant 2 : i32
    %dma_wait3A_257 = arith.constant 0 : i32
    %dma_wait3A_258 = arith.constant 0 : i32
    %dma_wait3A_259 = tpu.memref_slice %arg8[%dma_wait3A_256, %dma_wait3A_257, %dma_wait3A_258] : memref<4x416x64xf32, #tpu.memory_space<vmem>> -> memref<1x416x64xf32, #tpu.memory_space<vmem>>
    %dma_wait3A_260 = tpu.memref_squeeze %dma_wait3A_259 : memref<1x416x64xf32, #tpu.memory_space<vmem>> -> memref<416x64xf32, #tpu.memory_space<vmem>>
    %dma_wait3A_261 = arith.constant 0 : i32
    %dma_wait3A_262 = tpu.memref_slice %arg4[%add3A_229, %dma_wait3A_261] : memref<106496x64xf32, #tpu.memory_space<hbm>> -> memref<416x64xf32, #tpu.memory_space<hbm>>
    %dma_wait3A_263 = arith.constant 0 : i32
    %dma_wait3A_264 = tpu.memref_slice %arg4[%add3A_229, %dma_wait3A_263] : memref<106496x64xf32, #tpu.memory_space<hbm>> -> memref<416x64xf32, #tpu.memory_space<hbm>>
    %dma_wait3A_265 = arith.constant 0 : i32
    %dma_wait3A_266 = arith.constant 0 : i32
    %dma_wait3A_267 = tpu.memref_slice %arg8[%dma_wait3A_256, %dma_wait3A_265, %dma_wait3A_266] : memref<4x416x64xf32, #tpu.memory_space<vmem>> -> memref<1x416x64xf32, #tpu.memory_space<vmem>>
    %dma_wait3A_268 = tpu.memref_squeeze %dma_wait3A_267 : memref<1x416x64xf32, #tpu.memory_space<vmem>> -> memref<416x64xf32, #tpu.memory_space<vmem>>
    tpu.wait_dma2 semaphore(%arg15 : memref<!tpu.dma_semaphore, #tpu.memory_space<semaphore_mem>>) src(%dma_wait3A_268 : memref<416x64xf32, #tpu.memory_space<vmem>>) dst(%dma_wait3A_264 : memref<416x64xf32, #tpu.memory_space<hbm>>)
    %dma_wait3A_269 = arith.constant 2 : i32
    %dma_wait3A_270 = arith.constant 0 : i32
    %dma_wait3A_271 = arith.constant 0 : i32
    %dma_wait3A_272 = tpu.memref_slice %arg8[%dma_wait3A_269, %dma_wait3A_270, %dma_wait3A_271] : memref<4x416x64xf32, #tpu.memory_space<vmem>> -> memref<1x416x64xf32, #tpu.memory_space<vmem>>
    %dma_wait3A_273 = tpu.memref_squeeze %dma_wait3A_272 : memref<1x416x64xf32, #tpu.memory_space<vmem>> -> memref<416x64xf32, #tpu.memory_space<vmem>>
    %dma_wait3A_274 = arith.constant 0 : i32
    %dma_wait3A_275 = tpu.memref_slice %arg5[%add3A_229, %dma_wait3A_274] : memref<106496x64xf32, #tpu.memory_space<hbm>> -> memref<416x64xf32, #tpu.memory_space<hbm>>
    %dma_wait3A_276 = arith.constant 0 : i32
    %dma_wait3A_277 = tpu.memref_slice %arg5[%add3A_229, %dma_wait3A_276] : memref<106496x64xf32, #tpu.memory_space<hbm>> -> memref<416x64xf32, #tpu.memory_space<hbm>>
    %dma_wait3A_278 = arith.constant 0 : i32
    %dma_wait3A_279 = arith.constant 0 : i32
    %dma_wait3A_280 = tpu.memref_slice %arg8[%dma_wait3A_269, %dma_wait3A_278, %dma_wait3A_279] : memref<4x416x64xf32, #tpu.memory_space<vmem>> -> memref<1x416x64xf32, #tpu.memory_space<vmem>>
    %dma_wait3A_281 = tpu.memref_squeeze %dma_wait3A_280 : memref<1x416x64xf32, #tpu.memory_space<vmem>> -> memref<416x64xf32, #tpu.memory_space<vmem>>
    tpu.wait_dma2 semaphore(%arg15 : memref<!tpu.dma_semaphore, #tpu.memory_space<semaphore_mem>>) src(%dma_wait3A_281 : memref<416x64xf32, #tpu.memory_space<vmem>>) dst(%dma_wait3A_277 : memref<416x64xf32, #tpu.memory_space<hbm>>)
    %dma_start3A_282 = arith.constant 6 : i32
    %dma_start3A_283 = arith.constant 2 : i32
    %dma_start3A_284 = arith.constant 0 : i32
    %dma_start3A_285 = arith.constant 0 : i32
    %dma_start3A_286 = tpu.memref_slice %arg8[%dma_start3A_283, %dma_start3A_284, %dma_start3A_285] : memref<4x416x64xf32, #tpu.memory_space<vmem>> -> memref<1x416x64xf32, #tpu.memory_space<vmem>>
    %dma_start3A_287 = tpu.memref_squeeze %dma_start3A_286 : memref<1x416x64xf32, #tpu.memory_space<vmem>> -> memref<416x64xf32, #tpu.memory_space<vmem>>
    %dma_start3A_288 = arith.constant 0 : i32
    %dma_start3A_289 = tpu.memref_slice %arg7[%dma_start3A_282, %dma_start3A_288] : memref<8x416xi32, #tpu.memory_space<vmem>> -> memref<1x416xi32, #tpu.memory_space<vmem>>
    %dma_start3A_290 = tpu.memref_squeeze %dma_start3A_289 : memref<1x416xi32, #tpu.memory_space<vmem>> -> memref<416xi32, #tpu.memory_space<vmem>>
    %dma_start3A_291 = arith.constant 0 : i32
    %dma_start3A_292 = arith.constant 0 : i32
    %dma_start3A_293 = tpu.memref_slice %arg3[%dma_start3A_291, %dma_start3A_292] : memref<100000x64xf32, #tpu.memory_space<hbm>> -> memref<100000x64xf32, #tpu.memory_space<hbm>>
    tpu.enqueue_indirect_dma source(%dma_start3A_293 : memref<100000x64xf32, #tpu.memory_space<hbm>>) target(%dma_start3A_287 : memref<416x64xf32, #tpu.memory_space<vmem>>) offsets(%dma_start3A_290 : memref<416xi32, #tpu.memory_space<vmem>>) semaphore(%arg11 : memref<!tpu.dma_semaphore, #tpu.memory_space<semaphore_mem>>)
    %dma_wait3A_294 = arith.constant 3 : i32
    %dma_wait3A_295 = arith.constant 3 : i32
    %dma_wait3A_296 = arith.constant 0 : i32
    %dma_wait3A_297 = arith.constant 0 : i32
    %dma_wait3A_298 = tpu.memref_slice %arg8[%dma_wait3A_295, %dma_wait3A_296, %dma_wait3A_297] : memref<4x416x64xf32, #tpu.memory_space<vmem>> -> memref<1x416x64xf32, #tpu.memory_space<vmem>>
    %dma_wait3A_299 = tpu.memref_squeeze %dma_wait3A_298 : memref<1x416x64xf32, #tpu.memory_space<vmem>> -> memref<416x64xf32, #tpu.memory_space<vmem>>
    %dma_wait3A_300 = arith.constant 0 : i32
    %dma_wait3A_301 = tpu.memref_slice %arg7[%dma_wait3A_294, %dma_wait3A_300] : memref<8x416xi32, #tpu.memory_space<vmem>> -> memref<1x416xi32, #tpu.memory_space<vmem>>
    %dma_wait3A_302 = tpu.memref_squeeze %dma_wait3A_301 : memref<1x416xi32, #tpu.memory_space<vmem>> -> memref<416xi32, #tpu.memory_space<vmem>>
    %dma_wait3A_303 = arith.constant 0 : i32
    %dma_wait3A_304 = arith.constant 0 : i32
    %dma_wait3A_305 = tpu.memref_slice %arg3[%dma_wait3A_303, %dma_wait3A_304] : memref<100000x64xf32, #tpu.memory_space<hbm>> -> memref<100000x64xf32, #tpu.memory_space<hbm>>
    tpu.wait_indirect_dma semaphore(%arg12 : memref<!tpu.dma_semaphore, #tpu.memory_space<semaphore_mem>>) src(%dma_wait3A_305 : memref<100000x64xf32, #tpu.memory_space<hbm>>) dst(%dma_wait3A_299 : memref<416x64xf32, #tpu.memory_space<vmem>>)
    %add3A_306 = arith.constant 1248 : i32
    %add3A_307 = arith.addi %mul3A_2, %add3A_306 : i32
    %dma_start3A_308 = arith.constant 3 : i32
    %dma_start3A_309 = arith.constant 0 : i32
    %dma_start3A_310 = arith.constant 0 : i32
    %dma_start3A_311 = tpu.memref_slice %arg8[%dma_start3A_308, %dma_start3A_309, %dma_start3A_310] : memref<4x416x64xf32, #tpu.memory_space<vmem>> -> memref<1x416x64xf32, #tpu.memory_space<vmem>>
    %dma_start3A_312 = tpu.memref_squeeze %dma_start3A_311 : memref<1x416x64xf32, #tpu.memory_space<vmem>> -> memref<416x64xf32, #tpu.memory_space<vmem>>
    %dma_start3A_313 = arith.constant 0 : i32
    %dma_start3A_314 = tpu.memref_slice %arg4[%add3A_307, %dma_start3A_313] : memref<106496x64xf32, #tpu.memory_space<hbm>> -> memref<416x64xf32, #tpu.memory_space<hbm>>
    %dma_start3A_315 = arith.constant 0 : i32
    %dma_start3A_316 = tpu.memref_slice %arg4[%add3A_307, %dma_start3A_315] : memref<106496x64xf32, #tpu.memory_space<hbm>> -> memref<416x64xf32, #tpu.memory_space<hbm>>
    %dma_start3A_317 = arith.constant 0 : i32
    %dma_start3A_318 = arith.constant 0 : i32
    %dma_start3A_319 = tpu.memref_slice %arg8[%dma_start3A_308, %dma_start3A_317, %dma_start3A_318] : memref<4x416x64xf32, #tpu.memory_space<vmem>> -> memref<1x416x64xf32, #tpu.memory_space<vmem>>
    %dma_start3A_320 = tpu.memref_squeeze %dma_start3A_319 : memref<1x416x64xf32, #tpu.memory_space<vmem>> -> memref<416x64xf32, #tpu.memory_space<vmem>>
    tpu.enqueue_dma source(%dma_start3A_320 : memref<416x64xf32, #tpu.memory_space<vmem>>) target(%dma_start3A_316 : memref<416x64xf32, #tpu.memory_space<hbm>>) target_semaphore(%arg16 : memref<!tpu.dma_semaphore, #tpu.memory_space<semaphore_mem>>)
    %dma_start3A_321 = arith.constant 3 : i32
    %dma_start3A_322 = arith.constant 0 : i32
    %dma_start3A_323 = arith.constant 0 : i32
    %dma_start3A_324 = tpu.memref_slice %arg8[%dma_start3A_321, %dma_start3A_322, %dma_start3A_323] : memref<4x416x64xf32, #tpu.memory_space<vmem>> -> memref<1x416x64xf32, #tpu.memory_space<vmem>>
    %dma_start3A_325 = tpu.memref_squeeze %dma_start3A_324 : memref<1x416x64xf32, #tpu.memory_space<vmem>> -> memref<416x64xf32, #tpu.memory_space<vmem>>
    %dma_start3A_326 = arith.constant 0 : i32
    %dma_start3A_327 = tpu.memref_slice %arg5[%add3A_307, %dma_start3A_326] : memref<106496x64xf32, #tpu.memory_space<hbm>> -> memref<416x64xf32, #tpu.memory_space<hbm>>
    %dma_start3A_328 = arith.constant 0 : i32
    %dma_start3A_329 = tpu.memref_slice %arg5[%add3A_307, %dma_start3A_328] : memref<106496x64xf32, #tpu.memory_space<hbm>> -> memref<416x64xf32, #tpu.memory_space<hbm>>
    %dma_start3A_330 = arith.constant 0 : i32
    %dma_start3A_331 = arith.constant 0 : i32
    %dma_start3A_332 = tpu.memref_slice %arg8[%dma_start3A_321, %dma_start3A_330, %dma_start3A_331] : memref<4x416x64xf32, #tpu.memory_space<vmem>> -> memref<1x416x64xf32, #tpu.memory_space<vmem>>
    %dma_start3A_333 = tpu.memref_squeeze %dma_start3A_332 : memref<1x416x64xf32, #tpu.memory_space<vmem>> -> memref<416x64xf32, #tpu.memory_space<vmem>>
    tpu.enqueue_dma source(%dma_start3A_333 : memref<416x64xf32, #tpu.memory_space<vmem>>) target(%dma_start3A_329 : memref<416x64xf32, #tpu.memory_space<hbm>>) target_semaphore(%arg16 : memref<!tpu.dma_semaphore, #tpu.memory_space<semaphore_mem>>)
    %dma_wait3A_334 = arith.constant 3 : i32
    %dma_wait3A_335 = arith.constant 0 : i32
    %dma_wait3A_336 = arith.constant 0 : i32
    %dma_wait3A_337 = tpu.memref_slice %arg8[%dma_wait3A_334, %dma_wait3A_335, %dma_wait3A_336] : memref<4x416x64xf32, #tpu.memory_space<vmem>> -> memref<1x416x64xf32, #tpu.memory_space<vmem>>
    %dma_wait3A_338 = tpu.memref_squeeze %dma_wait3A_337 : memref<1x416x64xf32, #tpu.memory_space<vmem>> -> memref<416x64xf32, #tpu.memory_space<vmem>>
    %dma_wait3A_339 = arith.constant 0 : i32
    %dma_wait3A_340 = tpu.memref_slice %arg4[%add3A_307, %dma_wait3A_339] : memref<106496x64xf32, #tpu.memory_space<hbm>> -> memref<416x64xf32, #tpu.memory_space<hbm>>
    %dma_wait3A_341 = arith.constant 0 : i32
    %dma_wait3A_342 = tpu.memref_slice %arg4[%add3A_307, %dma_wait3A_341] : memref<106496x64xf32, #tpu.memory_space<hbm>> -> memref<416x64xf32, #tpu.memory_space<hbm>>
    %dma_wait3A_343 = arith.constant 0 : i32
    %dma_wait3A_344 = arith.constant 0 : i32
    %dma_wait3A_345 = tpu.memref_slice %arg8[%dma_wait3A_334, %dma_wait3A_343, %dma_wait3A_344] : memref<4x416x64xf32, #tpu.memory_space<vmem>> -> memref<1x416x64xf32, #tpu.memory_space<vmem>>
    %dma_wait3A_346 = tpu.memref_squeeze %dma_wait3A_345 : memref<1x416x64xf32, #tpu.memory_space<vmem>> -> memref<416x64xf32, #tpu.memory_space<vmem>>
    tpu.wait_dma2 semaphore(%arg16 : memref<!tpu.dma_semaphore, #tpu.memory_space<semaphore_mem>>) src(%dma_wait3A_346 : memref<416x64xf32, #tpu.memory_space<vmem>>) dst(%dma_wait3A_342 : memref<416x64xf32, #tpu.memory_space<hbm>>)
    %dma_wait3A_347 = arith.constant 3 : i32
    %dma_wait3A_348 = arith.constant 0 : i32
    %dma_wait3A_349 = arith.constant 0 : i32
    %dma_wait3A_350 = tpu.memref_slice %arg8[%dma_wait3A_347, %dma_wait3A_348, %dma_wait3A_349] : memref<4x416x64xf32, #tpu.memory_space<vmem>> -> memref<1x416x64xf32, #tpu.memory_space<vmem>>
    %dma_wait3A_351 = tpu.memref_squeeze %dma_wait3A_350 : memref<1x416x64xf32, #tpu.memory_space<vmem>> -> memref<416x64xf32, #tpu.memory_space<vmem>>
    %dma_wait3A_352 = arith.constant 0 : i32
    %dma_wait3A_353 = tpu.memref_slice %arg5[%add3A_307, %dma_wait3A_352] : memref<106496x64xf32, #tpu.memory_space<hbm>> -> memref<416x64xf32, #tpu.memory_space<hbm>>
    %dma_wait3A_354 = arith.constant 0 : i32
    %dma_wait3A_355 = tpu.memref_slice %arg5[%add3A_307, %dma_wait3A_354] : memref<106496x64xf32, #tpu.memory_space<hbm>> -> memref<416x64xf32, #tpu.memory_space<hbm>>
    %dma_wait3A_356 = arith.constant 0 : i32
    %dma_wait3A_357 = arith.constant 0 : i32
    %dma_wait3A_358 = tpu.memref_slice %arg8[%dma_wait3A_347, %dma_wait3A_356, %dma_wait3A_357] : memref<4x416x64xf32, #tpu.memory_space<vmem>> -> memref<1x416x64xf32, #tpu.memory_space<vmem>>
    %dma_wait3A_359 = tpu.memref_squeeze %dma_wait3A_358 : memref<1x416x64xf32, #tpu.memory_space<vmem>> -> memref<416x64xf32, #tpu.memory_space<vmem>>
    tpu.wait_dma2 semaphore(%arg16 : memref<!tpu.dma_semaphore, #tpu.memory_space<semaphore_mem>>) src(%dma_wait3A_359 : memref<416x64xf32, #tpu.memory_space<vmem>>) dst(%dma_wait3A_355 : memref<416x64xf32, #tpu.memory_space<hbm>>)
    %dma_start3A_360 = arith.constant 7 : i32
    %dma_start3A_361 = arith.constant 3 : i32
    %dma_start3A_362 = arith.constant 0 : i32
    %dma_start3A_363 = arith.constant 0 : i32
    %dma_start3A_364 = tpu.memref_slice %arg8[%dma_start3A_361, %dma_start3A_362, %dma_start3A_363] : memref<4x416x64xf32, #tpu.memory_space<vmem>> -> memref<1x416x64xf32, #tpu.memory_space<vmem>>
    %dma_start3A_365 = tpu.memref_squeeze %dma_start3A_364 : memref<1x416x64xf32, #tpu.memory_space<vmem>> -> memref<416x64xf32, #tpu.memory_space<vmem>>
    %dma_start3A_366 = arith.constant 0 : i32
    %dma_start3A_367 = tpu.memref_slice %arg7[%dma_start3A_360, %dma_start3A_366] : memref<8x416xi32, #tpu.memory_space<vmem>> -> memref<1x416xi32, #tpu.memory_space<vmem>>
    %dma_start3A_368 = tpu.memref_squeeze %dma_start3A_367 : memref<1x416xi32, #tpu.memory_space<vmem>> -> memref<416xi32, #tpu.memory_space<vmem>>
    %dma_start3A_369 = arith.constant 0 : i32
    %dma_start3A_370 = arith.constant 0 : i32
    %dma_start3A_371 = tpu.memref_slice %arg3[%dma_start3A_369, %dma_start3A_370] : memref<100000x64xf32, #tpu.memory_space<hbm>> -> memref<100000x64xf32, #tpu.memory_space<hbm>>
    tpu.enqueue_indirect_dma source(%dma_start3A_371 : memref<100000x64xf32, #tpu.memory_space<hbm>>) target(%dma_start3A_365 : memref<416x64xf32, #tpu.memory_space<vmem>>) offsets(%dma_start3A_368 : memref<416xi32, #tpu.memory_space<vmem>>) semaphore(%arg12 : memref<!tpu.dma_semaphore, #tpu.memory_space<semaphore_mem>>)
    %dma_wait3A_372 = arith.constant 4 : i32
    %dma_wait3A_373 = arith.constant 0 : i32
    %dma_wait3A_374 = arith.constant 0 : i32
    %dma_wait3A_375 = arith.constant 0 : i32
    %dma_wait3A_376 = tpu.memref_slice %arg8[%dma_wait3A_373, %dma_wait3A_374, %dma_wait3A_375] : memref<4x416x64xf32, #tpu.memory_space<vmem>> -> memref<1x416x64xf32, #tpu.memory_space<vmem>>
    %dma_wait3A_377 = tpu.memref_squeeze %dma_wait3A_376 : memref<1x416x64xf32, #tpu.memory_space<vmem>> -> memref<416x64xf32, #tpu.memory_space<vmem>>
    %dma_wait3A_378 = arith.constant 0 : i32
    %dma_wait3A_379 = tpu.memref_slice %arg7[%dma_wait3A_372, %dma_wait3A_378] : memref<8x416xi32, #tpu.memory_space<vmem>> -> memref<1x416xi32, #tpu.memory_space<vmem>>
    %dma_wait3A_380 = tpu.memref_squeeze %dma_wait3A_379 : memref<1x416xi32, #tpu.memory_space<vmem>> -> memref<416xi32, #tpu.memory_space<vmem>>
    %dma_wait3A_381 = arith.constant 0 : i32
    %dma_wait3A_382 = arith.constant 0 : i32
    %dma_wait3A_383 = tpu.memref_slice %arg3[%dma_wait3A_381, %dma_wait3A_382] : memref<100000x64xf32, #tpu.memory_space<hbm>> -> memref<100000x64xf32, #tpu.memory_space<hbm>>
    tpu.wait_indirect_dma semaphore(%arg9 : memref<!tpu.dma_semaphore, #tpu.memory_space<semaphore_mem>>) src(%dma_wait3A_383 : memref<100000x64xf32, #tpu.memory_space<hbm>>) dst(%dma_wait3A_377 : memref<416x64xf32, #tpu.memory_space<vmem>>)
    %add3A_384 = arith.constant 1664 : i32
    %add3A_385 = arith.addi %mul3A_2, %add3A_384 : i32
    %dma_start3A_386 = arith.constant 0 : i32
    %dma_start3A_387 = arith.constant 0 : i32
    %dma_start3A_388 = arith.constant 0 : i32
    %dma_start3A_389 = tpu.memref_slice %arg8[%dma_start3A_386, %dma_start3A_387, %dma_start3A_388] : memref<4x416x64xf32, #tpu.memory_space<vmem>> -> memref<1x416x64xf32, #tpu.memory_space<vmem>>
    %dma_start3A_390 = tpu.memref_squeeze %dma_start3A_389 : memref<1x416x64xf32, #tpu.memory_space<vmem>> -> memref<416x64xf32, #tpu.memory_space<vmem>>
    %dma_start3A_391 = arith.constant 0 : i32
    %dma_start3A_392 = tpu.memref_slice %arg4[%add3A_385, %dma_start3A_391] : memref<106496x64xf32, #tpu.memory_space<hbm>> -> memref<416x64xf32, #tpu.memory_space<hbm>>
    %dma_start3A_393 = arith.constant 0 : i32
    %dma_start3A_394 = tpu.memref_slice %arg4[%add3A_385, %dma_start3A_393] : memref<106496x64xf32, #tpu.memory_space<hbm>> -> memref<416x64xf32, #tpu.memory_space<hbm>>
    %dma_start3A_395 = arith.constant 0 : i32
    %dma_start3A_396 = arith.constant 0 : i32
    %dma_start3A_397 = tpu.memref_slice %arg8[%dma_start3A_386, %dma_start3A_395, %dma_start3A_396] : memref<4x416x64xf32, #tpu.memory_space<vmem>> -> memref<1x416x64xf32, #tpu.memory_space<vmem>>
    %dma_start3A_398 = tpu.memref_squeeze %dma_start3A_397 : memref<1x416x64xf32, #tpu.memory_space<vmem>> -> memref<416x64xf32, #tpu.memory_space<vmem>>
    tpu.enqueue_dma source(%dma_start3A_398 : memref<416x64xf32, #tpu.memory_space<vmem>>) target(%dma_start3A_394 : memref<416x64xf32, #tpu.memory_space<hbm>>) target_semaphore(%arg13 : memref<!tpu.dma_semaphore, #tpu.memory_space<semaphore_mem>>)
    %dma_start3A_399 = arith.constant 0 : i32
    %dma_start3A_400 = arith.constant 0 : i32
    %dma_start3A_401 = arith.constant 0 : i32
    %dma_start3A_402 = tpu.memref_slice %arg8[%dma_start3A_399, %dma_start3A_400, %dma_start3A_401] : memref<4x416x64xf32, #tpu.memory_space<vmem>> -> memref<1x416x64xf32, #tpu.memory_space<vmem>>
    %dma_start3A_403 = tpu.memref_squeeze %dma_start3A_402 : memref<1x416x64xf32, #tpu.memory_space<vmem>> -> memref<416x64xf32, #tpu.memory_space<vmem>>
    %dma_start3A_404 = arith.constant 0 : i32
    %dma_start3A_405 = tpu.memref_slice %arg5[%add3A_385, %dma_start3A_404] : memref<106496x64xf32, #tpu.memory_space<hbm>> -> memref<416x64xf32, #tpu.memory_space<hbm>>
    %dma_start3A_406 = arith.constant 0 : i32
    %dma_start3A_407 = tpu.memref_slice %arg5[%add3A_385, %dma_start3A_406] : memref<106496x64xf32, #tpu.memory_space<hbm>> -> memref<416x64xf32, #tpu.memory_space<hbm>>
    %dma_start3A_408 = arith.constant 0 : i32
    %dma_start3A_409 = arith.constant 0 : i32
    %dma_start3A_410 = tpu.memref_slice %arg8[%dma_start3A_399, %dma_start3A_408, %dma_start3A_409] : memref<4x416x64xf32, #tpu.memory_space<vmem>> -> memref<1x416x64xf32, #tpu.memory_space<vmem>>
    %dma_start3A_411 = tpu.memref_squeeze %dma_start3A_410 : memref<1x416x64xf32, #tpu.memory_space<vmem>> -> memref<416x64xf32, #tpu.memory_space<vmem>>
    tpu.enqueue_dma source(%dma_start3A_411 : memref<416x64xf32, #tpu.memory_space<vmem>>) target(%dma_start3A_407 : memref<416x64xf32, #tpu.memory_space<hbm>>) target_semaphore(%arg13 : memref<!tpu.dma_semaphore, #tpu.memory_space<semaphore_mem>>)
    %dma_wait3A_412 = arith.constant 5 : i32
    %dma_wait3A_413 = arith.constant 1 : i32
    %dma_wait3A_414 = arith.constant 0 : i32
    %dma_wait3A_415 = arith.constant 0 : i32
    %dma_wait3A_416 = tpu.memref_slice %arg8[%dma_wait3A_413, %dma_wait3A_414, %dma_wait3A_415] : memref<4x416x64xf32, #tpu.memory_space<vmem>> -> memref<1x416x64xf32, #tpu.memory_space<vmem>>
    %dma_wait3A_417 = tpu.memref_squeeze %dma_wait3A_416 : memref<1x416x64xf32, #tpu.memory_space<vmem>> -> memref<416x64xf32, #tpu.memory_space<vmem>>
    %dma_wait3A_418 = arith.constant 0 : i32
    %dma_wait3A_419 = tpu.memref_slice %arg7[%dma_wait3A_412, %dma_wait3A_418] : memref<8x416xi32, #tpu.memory_space<vmem>> -> memref<1x416xi32, #tpu.memory_space<vmem>>
    %dma_wait3A_420 = tpu.memref_squeeze %dma_wait3A_419 : memref<1x416xi32, #tpu.memory_space<vmem>> -> memref<416xi32, #tpu.memory_space<vmem>>
    %dma_wait3A_421 = arith.constant 0 : i32
    %dma_wait3A_422 = arith.constant 0 : i32
    %dma_wait3A_423 = tpu.memref_slice %arg3[%dma_wait3A_421, %dma_wait3A_422] : memref<100000x64xf32, #tpu.memory_space<hbm>> -> memref<100000x64xf32, #tpu.memory_space<hbm>>
    tpu.wait_indirect_dma semaphore(%arg10 : memref<!tpu.dma_semaphore, #tpu.memory_space<semaphore_mem>>) src(%dma_wait3A_423 : memref<100000x64xf32, #tpu.memory_space<hbm>>) dst(%dma_wait3A_417 : memref<416x64xf32, #tpu.memory_space<vmem>>)
    %add3A_424 = arith.constant 2080 : i32
    %add3A_425 = arith.addi %mul3A_2, %add3A_424 : i32
    %dma_start3A_426 = arith.constant 1 : i32
    %dma_start3A_427 = arith.constant 0 : i32
    %dma_start3A_428 = arith.constant 0 : i32
    %dma_start3A_429 = tpu.memref_slice %arg8[%dma_start3A_426, %dma_start3A_427, %dma_start3A_428] : memref<4x416x64xf32, #tpu.memory_space<vmem>> -> memref<1x416x64xf32, #tpu.memory_space<vmem>>
    %dma_start3A_430 = tpu.memref_squeeze %dma_start3A_429 : memref<1x416x64xf32, #tpu.memory_space<vmem>> -> memref<416x64xf32, #tpu.memory_space<vmem>>
    %dma_start3A_431 = arith.constant 0 : i32
    %dma_start3A_432 = tpu.memref_slice %arg4[%add3A_425, %dma_start3A_431] : memref<106496x64xf32, #tpu.memory_space<hbm>> -> memref<416x64xf32, #tpu.memory_space<hbm>>
    %dma_start3A_433 = arith.constant 0 : i32
    %dma_start3A_434 = tpu.memref_slice %arg4[%add3A_425, %dma_start3A_433] : memref<106496x64xf32, #tpu.memory_space<hbm>> -> memref<416x64xf32, #tpu.memory_space<hbm>>
    %dma_start3A_435 = arith.constant 0 : i32
    %dma_start3A_436 = arith.constant 0 : i32
    %dma_start3A_437 = tpu.memref_slice %arg8[%dma_start3A_426, %dma_start3A_435, %dma_start3A_436] : memref<4x416x64xf32, #tpu.memory_space<vmem>> -> memref<1x416x64xf32, #tpu.memory_space<vmem>>
    %dma_start3A_438 = tpu.memref_squeeze %dma_start3A_437 : memref<1x416x64xf32, #tpu.memory_space<vmem>> -> memref<416x64xf32, #tpu.memory_space<vmem>>
    tpu.enqueue_dma source(%dma_start3A_438 : memref<416x64xf32, #tpu.memory_space<vmem>>) target(%dma_start3A_434 : memref<416x64xf32, #tpu.memory_space<hbm>>) target_semaphore(%arg14 : memref<!tpu.dma_semaphore, #tpu.memory_space<semaphore_mem>>)
    %dma_start3A_439 = arith.constant 1 : i32
    %dma_start3A_440 = arith.constant 0 : i32
    %dma_start3A_441 = arith.constant 0 : i32
    %dma_start3A_442 = tpu.memref_slice %arg8[%dma_start3A_439, %dma_start3A_440, %dma_start3A_441] : memref<4x416x64xf32, #tpu.memory_space<vmem>> -> memref<1x416x64xf32, #tpu.memory_space<vmem>>
    %dma_start3A_443 = tpu.memref_squeeze %dma_start3A_442 : memref<1x416x64xf32, #tpu.memory_space<vmem>> -> memref<416x64xf32, #tpu.memory_space<vmem>>
    %dma_start3A_444 = arith.constant 0 : i32
    %dma_start3A_445 = tpu.memref_slice %arg5[%add3A_425, %dma_start3A_444] : memref<106496x64xf32, #tpu.memory_space<hbm>> -> memref<416x64xf32, #tpu.memory_space<hbm>>
    %dma_start3A_446 = arith.constant 0 : i32
    %dma_start3A_447 = tpu.memref_slice %arg5[%add3A_425, %dma_start3A_446] : memref<106496x64xf32, #tpu.memory_space<hbm>> -> memref<416x64xf32, #tpu.memory_space<hbm>>
    %dma_start3A_448 = arith.constant 0 : i32
    %dma_start3A_449 = arith.constant 0 : i32
    %dma_start3A_450 = tpu.memref_slice %arg8[%dma_start3A_439, %dma_start3A_448, %dma_start3A_449] : memref<4x416x64xf32, #tpu.memory_space<vmem>> -> memref<1x416x64xf32, #tpu.memory_space<vmem>>
    %dma_start3A_451 = tpu.memref_squeeze %dma_start3A_450 : memref<1x416x64xf32, #tpu.memory_space<vmem>> -> memref<416x64xf32, #tpu.memory_space<vmem>>
    tpu.enqueue_dma source(%dma_start3A_451 : memref<416x64xf32, #tpu.memory_space<vmem>>) target(%dma_start3A_447 : memref<416x64xf32, #tpu.memory_space<hbm>>) target_semaphore(%arg14 : memref<!tpu.dma_semaphore, #tpu.memory_space<semaphore_mem>>)
    %dma_wait3A_452 = arith.constant 6 : i32
    %dma_wait3A_453 = arith.constant 2 : i32
    %dma_wait3A_454 = arith.constant 0 : i32
    %dma_wait3A_455 = arith.constant 0 : i32
    %dma_wait3A_456 = tpu.memref_slice %arg8[%dma_wait3A_453, %dma_wait3A_454, %dma_wait3A_455] : memref<4x416x64xf32, #tpu.memory_space<vmem>> -> memref<1x416x64xf32, #tpu.memory_space<vmem>>
    %dma_wait3A_457 = tpu.memref_squeeze %dma_wait3A_456 : memref<1x416x64xf32, #tpu.memory_space<vmem>> -> memref<416x64xf32, #tpu.memory_space<vmem>>
    %dma_wait3A_458 = arith.constant 0 : i32
    %dma_wait3A_459 = tpu.memref_slice %arg7[%dma_wait3A_452, %dma_wait3A_458] : memref<8x416xi32, #tpu.memory_space<vmem>> -> memref<1x416xi32, #tpu.memory_space<vmem>>
    %dma_wait3A_460 = tpu.memref_squeeze %dma_wait3A_459 : memref<1x416xi32, #tpu.memory_space<vmem>> -> memref<416xi32, #tpu.memory_space<vmem>>
    %dma_wait3A_461 = arith.constant 0 : i32
    %dma_wait3A_462 = arith.constant 0 : i32
    %dma_wait3A_463 = tpu.memref_slice %arg3[%dma_wait3A_461, %dma_wait3A_462] : memref<100000x64xf32, #tpu.memory_space<hbm>> -> memref<100000x64xf32, #tpu.memory_space<hbm>>
    tpu.wait_indirect_dma semaphore(%arg11 : memref<!tpu.dma_semaphore, #tpu.memory_space<semaphore_mem>>) src(%dma_wait3A_463 : memref<100000x64xf32, #tpu.memory_space<hbm>>) dst(%dma_wait3A_457 : memref<416x64xf32, #tpu.memory_space<vmem>>)
    %add3A_464 = arith.constant 2496 : i32
    %add3A_465 = arith.addi %mul3A_2, %add3A_464 : i32
    %dma_start3A_466 = arith.constant 2 : i32
    %dma_start3A_467 = arith.constant 0 : i32
    %dma_start3A_468 = arith.constant 0 : i32
    %dma_start3A_469 = tpu.memref_slice %arg8[%dma_start3A_466, %dma_start3A_467, %dma_start3A_468] : memref<4x416x64xf32, #tpu.memory_space<vmem>> -> memref<1x416x64xf32, #tpu.memory_space<vmem>>
    %dma_start3A_470 = tpu.memref_squeeze %dma_start3A_469 : memref<1x416x64xf32, #tpu.memory_space<vmem>> -> memref<416x64xf32, #tpu.memory_space<vmem>>
    %dma_start3A_471 = arith.constant 0 : i32
    %dma_start3A_472 = tpu.memref_slice %arg4[%add3A_465, %dma_start3A_471] : memref<106496x64xf32, #tpu.memory_space<hbm>> -> memref<416x64xf32, #tpu.memory_space<hbm>>
    %dma_start3A_473 = arith.constant 0 : i32
    %dma_start3A_474 = tpu.memref_slice %arg4[%add3A_465, %dma_start3A_473] : memref<106496x64xf32, #tpu.memory_space<hbm>> -> memref<416x64xf32, #tpu.memory_space<hbm>>
    %dma_start3A_475 = arith.constant 0 : i32
    %dma_start3A_476 = arith.constant 0 : i32
    %dma_start3A_477 = tpu.memref_slice %arg8[%dma_start3A_466, %dma_start3A_475, %dma_start3A_476] : memref<4x416x64xf32, #tpu.memory_space<vmem>> -> memref<1x416x64xf32, #tpu.memory_space<vmem>>
    %dma_start3A_478 = tpu.memref_squeeze %dma_start3A_477 : memref<1x416x64xf32, #tpu.memory_space<vmem>> -> memref<416x64xf32, #tpu.memory_space<vmem>>
    tpu.enqueue_dma source(%dma_start3A_478 : memref<416x64xf32, #tpu.memory_space<vmem>>) target(%dma_start3A_474 : memref<416x64xf32, #tpu.memory_space<hbm>>) target_semaphore(%arg15 : memref<!tpu.dma_semaphore, #tpu.memory_space<semaphore_mem>>)
    %dma_start3A_479 = arith.constant 2 : i32
    %dma_start3A_480 = arith.constant 0 : i32
    %dma_start3A_481 = arith.constant 0 : i32
    %dma_start3A_482 = tpu.memref_slice %arg8[%dma_start3A_479, %dma_start3A_480, %dma_start3A_481] : memref<4x416x64xf32, #tpu.memory_space<vmem>> -> memref<1x416x64xf32, #tpu.memory_space<vmem>>
    %dma_start3A_483 = tpu.memref_squeeze %dma_start3A_482 : memref<1x416x64xf32, #tpu.memory_space<vmem>> -> memref<416x64xf32, #tpu.memory_space<vmem>>
    %dma_start3A_484 = arith.constant 0 : i32
    %dma_start3A_485 = tpu.memref_slice %arg5[%add3A_465, %dma_start3A_484] : memref<106496x64xf32, #tpu.memory_space<hbm>> -> memref<416x64xf32, #tpu.memory_space<hbm>>
    %dma_start3A_486 = arith.constant 0 : i32
    %dma_start3A_487 = tpu.memref_slice %arg5[%add3A_465, %dma_start3A_486] : memref<106496x64xf32, #tpu.memory_space<hbm>> -> memref<416x64xf32, #tpu.memory_space<hbm>>
    %dma_start3A_488 = arith.constant 0 : i32
    %dma_start3A_489 = arith.constant 0 : i32
    %dma_start3A_490 = tpu.memref_slice %arg8[%dma_start3A_479, %dma_start3A_488, %dma_start3A_489] : memref<4x416x64xf32, #tpu.memory_space<vmem>> -> memref<1x416x64xf32, #tpu.memory_space<vmem>>
    %dma_start3A_491 = tpu.memref_squeeze %dma_start3A_490 : memref<1x416x64xf32, #tpu.memory_space<vmem>> -> memref<416x64xf32, #tpu.memory_space<vmem>>
    tpu.enqueue_dma source(%dma_start3A_491 : memref<416x64xf32, #tpu.memory_space<vmem>>) target(%dma_start3A_487 : memref<416x64xf32, #tpu.memory_space<hbm>>) target_semaphore(%arg15 : memref<!tpu.dma_semaphore, #tpu.memory_space<semaphore_mem>>)
    %dma_wait3A_492 = arith.constant 7 : i32
    %dma_wait3A_493 = arith.constant 3 : i32
    %dma_wait3A_494 = arith.constant 0 : i32
    %dma_wait3A_495 = arith.constant 0 : i32
    %dma_wait3A_496 = tpu.memref_slice %arg8[%dma_wait3A_493, %dma_wait3A_494, %dma_wait3A_495] : memref<4x416x64xf32, #tpu.memory_space<vmem>> -> memref<1x416x64xf32, #tpu.memory_space<vmem>>
    %dma_wait3A_497 = tpu.memref_squeeze %dma_wait3A_496 : memref<1x416x64xf32, #tpu.memory_space<vmem>> -> memref<416x64xf32, #tpu.memory_space<vmem>>
    %dma_wait3A_498 = arith.constant 0 : i32
    %dma_wait3A_499 = tpu.memref_slice %arg7[%dma_wait3A_492, %dma_wait3A_498] : memref<8x416xi32, #tpu.memory_space<vmem>> -> memref<1x416xi32, #tpu.memory_space<vmem>>
    %dma_wait3A_500 = tpu.memref_squeeze %dma_wait3A_499 : memref<1x416xi32, #tpu.memory_space<vmem>> -> memref<416xi32, #tpu.memory_space<vmem>>
    %dma_wait3A_501 = arith.constant 0 : i32
    %dma_wait3A_502 = arith.constant 0 : i32
    %dma_wait3A_503 = tpu.memref_slice %arg3[%dma_wait3A_501, %dma_wait3A_502] : memref<100000x64xf32, #tpu.memory_space<hbm>> -> memref<100000x64xf32, #tpu.memory_space<hbm>>
    tpu.wait_indirect_dma semaphore(%arg12 : memref<!tpu.dma_semaphore, #tpu.memory_space<semaphore_mem>>) src(%dma_wait3A_503 : memref<100000x64xf32, #tpu.memory_space<hbm>>) dst(%dma_wait3A_497 : memref<416x64xf32, #tpu.memory_space<vmem>>)
    %add3A_504 = arith.constant 2912 : i32
    %add3A_505 = arith.addi %mul3A_2, %add3A_504 : i32
    %dma_start3A_506 = arith.constant 3 : i32
    %dma_start3A_507 = arith.constant 0 : i32
    %dma_start3A_508 = arith.constant 0 : i32
    %dma_start3A_509 = tpu.memref_slice %arg8[%dma_start3A_506, %dma_start3A_507, %dma_start3A_508] : memref<4x416x64xf32, #tpu.memory_space<vmem>> -> memref<1x416x64xf32, #tpu.memory_space<vmem>>
    %dma_start3A_510 = tpu.memref_squeeze %dma_start3A_509 : memref<1x416x64xf32, #tpu.memory_space<vmem>> -> memref<416x64xf32, #tpu.memory_space<vmem>>
    %dma_start3A_511 = arith.constant 0 : i32
    %dma_start3A_512 = tpu.memref_slice %arg4[%add3A_505, %dma_start3A_511] : memref<106496x64xf32, #tpu.memory_space<hbm>> -> memref<416x64xf32, #tpu.memory_space<hbm>>
    %dma_start3A_513 = arith.constant 0 : i32
    %dma_start3A_514 = tpu.memref_slice %arg4[%add3A_505, %dma_start3A_513] : memref<106496x64xf32, #tpu.memory_space<hbm>> -> memref<416x64xf32, #tpu.memory_space<hbm>>
    %dma_start3A_515 = arith.constant 0 : i32
    %dma_start3A_516 = arith.constant 0 : i32
    %dma_start3A_517 = tpu.memref_slice %arg8[%dma_start3A_506, %dma_start3A_515, %dma_start3A_516] : memref<4x416x64xf32, #tpu.memory_space<vmem>> -> memref<1x416x64xf32, #tpu.memory_space<vmem>>
    %dma_start3A_518 = tpu.memref_squeeze %dma_start3A_517 : memref<1x416x64xf32, #tpu.memory_space<vmem>> -> memref<416x64xf32, #tpu.memory_space<vmem>>
    tpu.enqueue_dma source(%dma_start3A_518 : memref<416x64xf32, #tpu.memory_space<vmem>>) target(%dma_start3A_514 : memref<416x64xf32, #tpu.memory_space<hbm>>) target_semaphore(%arg16 : memref<!tpu.dma_semaphore, #tpu.memory_space<semaphore_mem>>)
    %dma_start3A_519 = arith.constant 3 : i32
    %dma_start3A_520 = arith.constant 0 : i32
    %dma_start3A_521 = arith.constant 0 : i32
    %dma_start3A_522 = tpu.memref_slice %arg8[%dma_start3A_519, %dma_start3A_520, %dma_start3A_521] : memref<4x416x64xf32, #tpu.memory_space<vmem>> -> memref<1x416x64xf32, #tpu.memory_space<vmem>>
    %dma_start3A_523 = tpu.memref_squeeze %dma_start3A_522 : memref<1x416x64xf32, #tpu.memory_space<vmem>> -> memref<416x64xf32, #tpu.memory_space<vmem>>
    %dma_start3A_524 = arith.constant 0 : i32
    %dma_start3A_525 = tpu.memref_slice %arg5[%add3A_505, %dma_start3A_524] : memref<106496x64xf32, #tpu.memory_space<hbm>> -> memref<416x64xf32, #tpu.memory_space<hbm>>
    %dma_start3A_526 = arith.constant 0 : i32
    %dma_start3A_527 = tpu.memref_slice %arg5[%add3A_505, %dma_start3A_526] : memref<106496x64xf32, #tpu.memory_space<hbm>> -> memref<416x64xf32, #tpu.memory_space<hbm>>
    %dma_start3A_528 = arith.constant 0 : i32
    %dma_start3A_529 = arith.constant 0 : i32
    %dma_start3A_530 = tpu.memref_slice %arg8[%dma_start3A_519, %dma_start3A_528, %dma_start3A_529] : memref<4x416x64xf32, #tpu.memory_space<vmem>> -> memref<1x416x64xf32, #tpu.memory_space<vmem>>
    %dma_start3A_531 = tpu.memref_squeeze %dma_start3A_530 : memref<1x416x64xf32, #tpu.memory_space<vmem>> -> memref<416x64xf32, #tpu.memory_space<vmem>>
    tpu.enqueue_dma source(%dma_start3A_531 : memref<416x64xf32, #tpu.memory_space<vmem>>) target(%dma_start3A_527 : memref<416x64xf32, #tpu.memory_space<hbm>>) target_semaphore(%arg16 : memref<!tpu.dma_semaphore, #tpu.memory_space<semaphore_mem>>)
    %dma_wait3A_532 = arith.constant 0 : i32
    %dma_wait3A_533 = arith.constant 0 : i32
    %dma_wait3A_534 = arith.constant 0 : i32
    %dma_wait3A_535 = tpu.memref_slice %arg8[%dma_wait3A_532, %dma_wait3A_533, %dma_wait3A_534] : memref<4x416x64xf32, #tpu.memory_space<vmem>> -> memref<1x416x64xf32, #tpu.memory_space<vmem>>
    %dma_wait3A_536 = tpu.memref_squeeze %dma_wait3A_535 : memref<1x416x64xf32, #tpu.memory_space<vmem>> -> memref<416x64xf32, #tpu.memory_space<vmem>>
    %dma_wait3A_537 = arith.constant 0 : i32
    %dma_wait3A_538 = tpu.memref_slice %arg4[%add3A_385, %dma_wait3A_537] : memref<106496x64xf32, #tpu.memory_space<hbm>> -> memref<416x64xf32, #tpu.memory_space<hbm>>
    %dma_wait3A_539 = arith.constant 0 : i32
    %dma_wait3A_540 = tpu.memref_slice %arg4[%add3A_385, %dma_wait3A_539] : memref<106496x64xf32, #tpu.memory_space<hbm>> -> memref<416x64xf32, #tpu.memory_space<hbm>>
    %dma_wait3A_541 = arith.constant 0 : i32
    %dma_wait3A_542 = arith.constant 0 : i32
    %dma_wait3A_543 = tpu.memref_slice %arg8[%dma_wait3A_532, %dma_wait3A_541, %dma_wait3A_542] : memref<4x416x64xf32, #tpu.memory_space<vmem>> -> memref<1x416x64xf32, #tpu.memory_space<vmem>>
    %dma_wait3A_544 = tpu.memref_squeeze %dma_wait3A_543 : memref<1x416x64xf32, #tpu.memory_space<vmem>> -> memref<416x64xf32, #tpu.memory_space<vmem>>
    tpu.wait_dma2 semaphore(%arg13 : memref<!tpu.dma_semaphore, #tpu.memory_space<semaphore_mem>>) src(%dma_wait3A_544 : memref<416x64xf32, #tpu.memory_space<vmem>>) dst(%dma_wait3A_540 : memref<416x64xf32, #tpu.memory_space<hbm>>)
    %dma_wait3A_545 = arith.constant 0 : i32
    %dma_wait3A_546 = arith.constant 0 : i32
    %dma_wait3A_547 = arith.constant 0 : i32
    %dma_wait3A_548 = tpu.memref_slice %arg8[%dma_wait3A_545, %dma_wait3A_546, %dma_wait3A_547] : memref<4x416x64xf32, #tpu.memory_space<vmem>> -> memref<1x416x64xf32, #tpu.memory_space<vmem>>
    %dma_wait3A_549 = tpu.memref_squeeze %dma_wait3A_548 : memref<1x416x64xf32, #tpu.memory_space<vmem>> -> memref<416x64xf32, #tpu.memory_space<vmem>>
    %dma_wait3A_550 = arith.constant 0 : i32
    %dma_wait3A_551 = tpu.memref_slice %arg5[%add3A_385, %dma_wait3A_550] : memref<106496x64xf32, #tpu.memory_space<hbm>> -> memref<416x64xf32, #tpu.memory_space<hbm>>
    %dma_wait3A_552 = arith.constant 0 : i32
    %dma_wait3A_553 = tpu.memref_slice %arg5[%add3A_385, %dma_wait3A_552] : memref<106496x64xf32, #tpu.memory_space<hbm>> -> memref<416x64xf32, #tpu.memory_space<hbm>>
    %dma_wait3A_554 = arith.constant 0 : i32
    %dma_wait3A_555 = arith.constant 0 : i32
    %dma_wait3A_556 = tpu.memref_slice %arg8[%dma_wait3A_545, %dma_wait3A_554, %dma_wait3A_555] : memref<4x416x64xf32, #tpu.memory_space<vmem>> -> memref<1x416x64xf32, #tpu.memory_space<vmem>>
    %dma_wait3A_557 = tpu.memref_squeeze %dma_wait3A_556 : memref<1x416x64xf32, #tpu.memory_space<vmem>> -> memref<416x64xf32, #tpu.memory_space<vmem>>
    tpu.wait_dma2 semaphore(%arg13 : memref<!tpu.dma_semaphore, #tpu.memory_space<semaphore_mem>>) src(%dma_wait3A_557 : memref<416x64xf32, #tpu.memory_space<vmem>>) dst(%dma_wait3A_553 : memref<416x64xf32, #tpu.memory_space<hbm>>)
    %dma_wait3A_558 = arith.constant 1 : i32
    %dma_wait3A_559 = arith.constant 0 : i32
    %dma_wait3A_560 = arith.constant 0 : i32
    %dma_wait3A_561 = tpu.memref_slice %arg8[%dma_wait3A_558, %dma_wait3A_559, %dma_wait3A_560] : memref<4x416x64xf32, #tpu.memory_space<vmem>> -> memref<1x416x64xf32, #tpu.memory_space<vmem>>
    %dma_wait3A_562 = tpu.memref_squeeze %dma_wait3A_561 : memref<1x416x64xf32, #tpu.memory_space<vmem>> -> memref<416x64xf32, #tpu.memory_space<vmem>>
    %dma_wait3A_563 = arith.constant 0 : i32
    %dma_wait3A_564 = tpu.memref_slice %arg4[%add3A_425, %dma_wait3A_563] : memref<106496x64xf32, #tpu.memory_space<hbm>> -> memref<416x64xf32, #tpu.memory_space<hbm>>
    %dma_wait3A_565 = arith.constant 0 : i32
    %dma_wait3A_566 = tpu.memref_slice %arg4[%add3A_425, %dma_wait3A_565] : memref<106496x64xf32, #tpu.memory_space<hbm>> -> memref<416x64xf32, #tpu.memory_space<hbm>>
    %dma_wait3A_567 = arith.constant 0 : i32
    %dma_wait3A_568 = arith.constant 0 : i32
    %dma_wait3A_569 = tpu.memref_slice %arg8[%dma_wait3A_558, %dma_wait3A_567, %dma_wait3A_568] : memref<4x416x64xf32, #tpu.memory_space<vmem>> -> memref<1x416x64xf32, #tpu.memory_space<vmem>>
    %dma_wait3A_570 = tpu.memref_squeeze %dma_wait3A_569 : memref<1x416x64xf32, #tpu.memory_space<vmem>> -> memref<416x64xf32, #tpu.memory_space<vmem>>
    tpu.wait_dma2 semaphore(%arg14 : memref<!tpu.dma_semaphore, #tpu.memory_space<semaphore_mem>>) src(%dma_wait3A_570 : memref<416x64xf32, #tpu.memory_space<vmem>>) dst(%dma_wait3A_566 : memref<416x64xf32, #tpu.memory_space<hbm>>)
    %dma_wait3A_571 = arith.constant 1 : i32
    %dma_wait3A_572 = arith.constant 0 : i32
    %dma_wait3A_573 = arith.constant 0 : i32
    %dma_wait3A_574 = tpu.memref_slice %arg8[%dma_wait3A_571, %dma_wait3A_572, %dma_wait3A_573] : memref<4x416x64xf32, #tpu.memory_space<vmem>> -> memref<1x416x64xf32, #tpu.memory_space<vmem>>
    %dma_wait3A_575 = tpu.memref_squeeze %dma_wait3A_574 : memref<1x416x64xf32, #tpu.memory_space<vmem>> -> memref<416x64xf32, #tpu.memory_space<vmem>>
    %dma_wait3A_576 = arith.constant 0 : i32
    %dma_wait3A_577 = tpu.memref_slice %arg5[%add3A_425, %dma_wait3A_576] : memref<106496x64xf32, #tpu.memory_space<hbm>> -> memref<416x64xf32, #tpu.memory_space<hbm>>
    %dma_wait3A_578 = arith.constant 0 : i32
    %dma_wait3A_579 = tpu.memref_slice %arg5[%add3A_425, %dma_wait3A_578] : memref<106496x64xf32, #tpu.memory_space<hbm>> -> memref<416x64xf32, #tpu.memory_space<hbm>>
    %dma_wait3A_580 = arith.constant 0 : i32
    %dma_wait3A_581 = arith.constant 0 : i32
    %dma_wait3A_582 = tpu.memref_slice %arg8[%dma_wait3A_571, %dma_wait3A_580, %dma_wait3A_581] : memref<4x416x64xf32, #tpu.memory_space<vmem>> -> memref<1x416x64xf32, #tpu.memory_space<vmem>>
    %dma_wait3A_583 = tpu.memref_squeeze %dma_wait3A_582 : memref<1x416x64xf32, #tpu.memory_space<vmem>> -> memref<416x64xf32, #tpu.memory_space<vmem>>
    tpu.wait_dma2 semaphore(%arg14 : memref<!tpu.dma_semaphore, #tpu.memory_space<semaphore_mem>>) src(%dma_wait3A_583 : memref<416x64xf32, #tpu.memory_space<vmem>>) dst(%dma_wait3A_579 : memref<416x64xf32, #tpu.memory_space<hbm>>)
    %dma_wait3A_584 = arith.constant 2 : i32
    %dma_wait3A_585 = arith.constant 0 : i32
    %dma_wait3A_586 = arith.constant 0 : i32
    %dma_wait3A_587 = tpu.memref_slice %arg8[%dma_wait3A_584, %dma_wait3A_585, %dma_wait3A_586] : memref<4x416x64xf32, #tpu.memory_space<vmem>> -> memref<1x416x64xf32, #tpu.memory_space<vmem>>
    %dma_wait3A_588 = tpu.memref_squeeze %dma_wait3A_587 : memref<1x416x64xf32, #tpu.memory_space<vmem>> -> memref<416x64xf32, #tpu.memory_space<vmem>>
    %dma_wait3A_589 = arith.constant 0 : i32
    %dma_wait3A_590 = tpu.memref_slice %arg4[%add3A_465, %dma_wait3A_589] : memref<106496x64xf32, #tpu.memory_space<hbm>> -> memref<416x64xf32, #tpu.memory_space<hbm>>
    %dma_wait3A_591 = arith.constant 0 : i32
    %dma_wait3A_592 = tpu.memref_slice %arg4[%add3A_465, %dma_wait3A_591] : memref<106496x64xf32, #tpu.memory_space<hbm>> -> memref<416x64xf32, #tpu.memory_space<hbm>>
    %dma_wait3A_593 = arith.constant 0 : i32
    %dma_wait3A_594 = arith.constant 0 : i32
    %dma_wait3A_595 = tpu.memref_slice %arg8[%dma_wait3A_584, %dma_wait3A_593, %dma_wait3A_594] : memref<4x416x64xf32, #tpu.memory_space<vmem>> -> memref<1x416x64xf32, #tpu.memory_space<vmem>>
    %dma_wait3A_596 = tpu.memref_squeeze %dma_wait3A_595 : memref<1x416x64xf32, #tpu.memory_space<vmem>> -> memref<416x64xf32, #tpu.memory_space<vmem>>
    tpu.wait_dma2 semaphore(%arg15 : memref<!tpu.dma_semaphore, #tpu.memory_space<semaphore_mem>>) src(%dma_wait3A_596 : memref<416x64xf32, #tpu.memory_space<vmem>>) dst(%dma_wait3A_592 : memref<416x64xf32, #tpu.memory_space<hbm>>)
    %dma_wait3A_597 = arith.constant 2 : i32
    %dma_wait3A_598 = arith.constant 0 : i32
    %dma_wait3A_599 = arith.constant 0 : i32
    %dma_wait3A_600 = tpu.memref_slice %arg8[%dma_wait3A_597, %dma_wait3A_598, %dma_wait3A_599] : memref<4x416x64xf32, #tpu.memory_space<vmem>> -> memref<1x416x64xf32, #tpu.memory_space<vmem>>
    %dma_wait3A_601 = tpu.memref_squeeze %dma_wait3A_600 : memref<1x416x64xf32, #tpu.memory_space<vmem>> -> memref<416x64xf32, #tpu.memory_space<vmem>>
    %dma_wait3A_602 = arith.constant 0 : i32
    %dma_wait3A_603 = tpu.memref_slice %arg5[%add3A_465, %dma_wait3A_602] : memref<106496x64xf32, #tpu.memory_space<hbm>> -> memref<416x64xf32, #tpu.memory_space<hbm>>
    %dma_wait3A_604 = arith.constant 0 : i32
    %dma_wait3A_605 = tpu.memref_slice %arg5[%add3A_465, %dma_wait3A_604] : memref<106496x64xf32, #tpu.memory_space<hbm>> -> memref<416x64xf32, #tpu.memory_space<hbm>>
    %dma_wait3A_606 = arith.constant 0 : i32
    %dma_wait3A_607 = arith.constant 0 : i32
    %dma_wait3A_608 = tpu.memref_slice %arg8[%dma_wait3A_597, %dma_wait3A_606, %dma_wait3A_607] : memref<4x416x64xf32, #tpu.memory_space<vmem>> -> memref<1x416x64xf32, #tpu.memory_space<vmem>>
    %dma_wait3A_609 = tpu.memref_squeeze %dma_wait3A_608 : memref<1x416x64xf32, #tpu.memory_space<vmem>> -> memref<416x64xf32, #tpu.memory_space<vmem>>
    tpu.wait_dma2 semaphore(%arg15 : memref<!tpu.dma_semaphore, #tpu.memory_space<semaphore_mem>>) src(%dma_wait3A_609 : memref<416x64xf32, #tpu.memory_space<vmem>>) dst(%dma_wait3A_605 : memref<416x64xf32, #tpu.memory_space<hbm>>)
    %dma_wait3A_610 = arith.constant 3 : i32
    %dma_wait3A_611 = arith.constant 0 : i32
    %dma_wait3A_612 = arith.constant 0 : i32
    %dma_wait3A_613 = tpu.memref_slice %arg8[%dma_wait3A_610, %dma_wait3A_611, %dma_wait3A_612] : memref<4x416x64xf32, #tpu.memory_space<vmem>> -> memref<1x416x64xf32, #tpu.memory_space<vmem>>
    %dma_wait3A_614 = tpu.memref_squeeze %dma_wait3A_613 : memref<1x416x64xf32, #tpu.memory_space<vmem>> -> memref<416x64xf32, #tpu.memory_space<vmem>>
    %dma_wait3A_615 = arith.constant 0 : i32
    %dma_wait3A_616 = tpu.memref_slice %arg4[%add3A_505, %dma_wait3A_615] : memref<106496x64xf32, #tpu.memory_space<hbm>> -> memref<416x64xf32, #tpu.memory_space<hbm>>
    %dma_wait3A_617 = arith.constant 0 : i32
    %dma_wait3A_618 = tpu.memref_slice %arg4[%add3A_505, %dma_wait3A_617] : memref<106496x64xf32, #tpu.memory_space<hbm>> -> memref<416x64xf32, #tpu.memory_space<hbm>>
    %dma_wait3A_619 = arith.constant 0 : i32
    %dma_wait3A_620 = arith.constant 0 : i32
    %dma_wait3A_621 = tpu.memref_slice %arg8[%dma_wait3A_610, %dma_wait3A_619, %dma_wait3A_620] : memref<4x416x64xf32, #tpu.memory_space<vmem>> -> memref<1x416x64xf32, #tpu.memory_space<vmem>>
    %dma_wait3A_622 = tpu.memref_squeeze %dma_wait3A_621 : memref<1x416x64xf32, #tpu.memory_space<vmem>> -> memref<416x64xf32, #tpu.memory_space<vmem>>
    tpu.wait_dma2 semaphore(%arg16 : memref<!tpu.dma_semaphore, #tpu.memory_space<semaphore_mem>>) src(%dma_wait3A_622 : memref<416x64xf32, #tpu.memory_space<vmem>>) dst(%dma_wait3A_618 : memref<416x64xf32, #tpu.memory_space<hbm>>)
    %dma_wait3A_623 = arith.constant 3 : i32
    %dma_wait3A_624 = arith.constant 0 : i32
    %dma_wait3A_625 = arith.constant 0 : i32
    %dma_wait3A_626 = tpu.memref_slice %arg8[%dma_wait3A_623, %dma_wait3A_624, %dma_wait3A_625] : memref<4x416x64xf32, #tpu.memory_space<vmem>> -> memref<1x416x64xf32, #tpu.memory_space<vmem>>
    %dma_wait3A_627 = tpu.memref_squeeze %dma_wait3A_626 : memref<1x416x64xf32, #tpu.memory_space<vmem>> -> memref<416x64xf32, #tpu.memory_space<vmem>>
    %dma_wait3A_628 = arith.constant 0 : i32
    %dma_wait3A_629 = tpu.memref_slice %arg5[%add3A_505, %dma_wait3A_628] : memref<106496x64xf32, #tpu.memory_space<hbm>> -> memref<416x64xf32, #tpu.memory_space<hbm>>
    %dma_wait3A_630 = arith.constant 0 : i32
    %dma_wait3A_631 = tpu.memref_slice %arg5[%add3A_505, %dma_wait3A_630] : memref<106496x64xf32, #tpu.memory_space<hbm>> -> memref<416x64xf32, #tpu.memory_space<hbm>>
    %dma_wait3A_632 = arith.constant 0 : i32
    %dma_wait3A_633 = arith.constant 0 : i32
    %dma_wait3A_634 = tpu.memref_slice %arg8[%dma_wait3A_623, %dma_wait3A_632, %dma_wait3A_633] : memref<4x416x64xf32, #tpu.memory_space<vmem>> -> memref<1x416x64xf32, #tpu.memory_space<vmem>>
    %dma_wait3A_635 = tpu.memref_squeeze %dma_wait3A_634 : memref<1x416x64xf32, #tpu.memory_space<vmem>> -> memref<416x64xf32, #tpu.memory_space<vmem>>
    tpu.wait_dma2 semaphore(%arg16 : memref<!tpu.dma_semaphore, #tpu.memory_space<semaphore_mem>>) src(%dma_wait3A_635 : memref<416x64xf32, #tpu.memory_space<vmem>>) dst(%dma_wait3A_631 : memref<416x64xf32, #tpu.memory_space<hbm>>)
    return
  }
}

</mosaic_0001>

<sc_bundles>
// kernel: kernel.3.cloned.1.call-start
scs
__scs_entry_jumppad:
0x0: {  	(pc) =	sbr.rel $0x88, $3  }
0x1: {  	(tag) =	ssettag $0x0;
	lr =	simm.s32 $0x1  }
0x2: {  	[smem:$0x3F9F] =	sst lr;
	_ =	strace $0xD0000000  }
0x3: {  	_ = 	snop  }
0x4: {  	_ = 	snop  }
0x5: {  	_ = 	snop  }
0x6: {  	_ = 	snop  }
0x7: {  	_ = 	snop  }
__scs_overlays_trampoline_lowered:
0x8: {  	[smem:$0x3FAE] =	sst s0  }
0x9: {  	[smem:$0x3FAF] =	sst s1  }
0xa: {  	[smem:$0x3FB0] =	sst s2  }
0xb: {  	[smem:$0x3FB1] =	sst s3  }
0xc: {  	[smem:$0x3FB2] =	sst s4  }
0xd: {  	[smem:$0x3FB3] =	sst s5  }
0xe: {  	[smem:$0x3FB4] =	sst s6  }
0xf: {  	[smem:$0x3FB5] =	sst s7  }
0x10: {  	[smem:$0x3FB6] =	sst s8  }
0x11: {  	[smem:$0x3FB7] =	sst s9;
	s0 =	simm.s32 @!p0 $0x0  }
0x12: {  	s1 =	sld [smem:$0x3F9D];
	s0 =	simm.s32 @p0 $0x1  }
0x13: {  	[smem:$0x3FB8] =	sst s0;
	s0 =	simm.s32 @!p1 $0x0  }
0x14: {  	s2 =	sld [smem:$0x3F9C];
	s0 =	simm.s32 @p1 $0x1  }
0x15: {  	[smem:$0x3FB9] =	sst s0;
	s0 =	simm.s32 @!p2 $0x0  }
0x16: {  	s3 =	sld [smem:$0x3FDB];
	s0 =	simm.s32 @p2 $0x1  }
0x17: {  	s4 =	simm.s32 $0x1BF5;
	[smem:$0x3FBB] =	sst s0  }
0x18: {  	s0 =	sld [smem:$0x3F9E];
	_ =	swait.ge [sflag:s4], $0x0  }
0x19: {  	s7 =	sld [smem:$0x3F9F]  }
0x1a: {  	s8 =	sadd.s32 $0xFFFFE003, lr  }
0x1b: {  	s9 =	sadd.s32 $0xFFFFFEF7, lr;
	s5 =	simm.s32 $0xFFFFFFFF;
	p2 =	slt.u32 s8, $0xFFFFF086  }
0x1c: {  	p1 =	slt.u32 s9, $0xF7A;
	s5 =	simm.s32 @!p2 $0x0  }
0x1d: {  	s5 =	simm.s32 @p1 $0x1;
	p0 =	seq.s32 s7, s2  }
0x1e: {  	s7 =	smul.u32 @!p0 $0xF7A, s2;
	p2 =	seq.s32 @!p0 s5, $0x0  }
0x1f: {  	s9 =	smul.u32 $0xF7A, s1;
	s8 =	simm.s32 @!p0 $0x1BF5;
	p2 =	por !p2, p0  }
0x20: {  	[sflag:s8] =	ssyncset.s32 @!p0 $0xFFFFF086;
	s6 =	sadd.s32 @!p0 s3, s7;
	s7 =	simm.s32 @!p0 $0x108  }
0x21: {  	s3 =	sadd.s32 s3, s9;
	s6 =	sadd.s32 @!p0 $0x88, s6;
	s7 =	simm.s32 @p2 $0x1082  }
0x22: {  	[simem:s7], [sflag:s8] =	dma.local @!p0 [hbm:s6], $0xF7A  }
0x23: {  	s9 =	sor.u32 $0xD0000000, s2;
	s6 =	simm.s32 $0x108;
	_ =	swait.ge @!p0 [sflag:s8], $0x0  }
0x24: {  	s3 =	sadd.s32 $0x88, s3;
	s6 =	simm.s32 @!p1 $0x1082;
	[sflag:s4] =	ssyncset.s32 $0xFFFFF086  }
0x25: {  	[simem:s6], [sflag:s4] =	dma.local [hbm:s3], $0xF7A  }
0x26: {  	[smem:$0x3F9F] =	sst s1;
	(tag) =	ssettag s2;
	_ =	strace s9  }
0x27: {  	s1 =	sld [smem:$0x3FAF]  }
0x28: {  	s2 =	sld [smem:$0x3FB0]  }
0x29: {  	s4 =	sld [smem:$0x3FB2]  }
0x2a: {  	p0 =	seq.s32 s5, $0x0;
	s5 =	sld [smem:$0x3FB3]  }
0x2b: {  	s6 =	sld [smem:$0x3FB4]  }
0x2c: {  	s7 =	sld [smem:$0x3FB5]  }
0x2d: {  	s3 =	simm.s32 $0x108;
	s8 =	sld [smem:$0x3FB6]  }
0x2e: {  	s3 =	simm.s32 @!p0 $0x1082;
	s9 =	sld [smem:$0x3FB7]  }
0x2f: {  	lr =	sadd.s32 s0, s3;
	s0 =	sld [smem:$0x3FAE]  }
0x30: {  	s3 =	sld [smem:$0x3FB1]  }
0x31: {  	[smem:$0x3FBA] =	sst s10  }
0x32: {  	s10 =	sld [smem:$0x3FB8];
	_ =	sdelay $0x3  }
0x33: {  	p0 =	seq.s32 s10, $0x1;
	s10 =	sld [smem:$0x3FBA];
	_ =	sdelay $0x3  }
0x34: {  	[smem:$0x3FBA] =	sst s10  }
0x35: {  	s10 =	sld [smem:$0x3FB9];
	_ =	sdelay $0x3  }
0x36: {  	p1 =	seq.s32 s10, $0x1;
	s10 =	sld [smem:$0x3FBA];
	_ =	sdelay $0x3  }
0x37: {  	[smem:$0x3FBA] =	sst s10  }
0x38: {  	s10 =	sld [smem:$0x3FBB]  }
0x39: {  	_ = 	snop;
	(pc) =	sbr.ind lr, $3  }
0x3a: {  	_ = 	snop  }
0x3b: {  	_ = 	snop  }
0x3c: {  	p2 =	seq.s32 s10, $0x1;
	s10 =	sld [smem:$0x3FBA]  }
0x3d: {  	_ =	shalt  }
0x3e: {  	_ =	shalt  }
0x3f: {  	_ =	shalt  }
0x40: {  	_ =	shalt  }
0x41: {  	_ =	shalt  }
0x42: {  	_ =	shalt  }
0x43: {  	_ =	shalt  }
0x44: {  	_ =	shalt  }
0x45: {  	_ =	shalt  }
0x46: {  	_ =	shalt  }
0x47: {  	_ =	shalt  }
0x48: {  	_ =	shalt  }
0x49: {  	_ =	shalt  }
0x4a: {  	_ =	shalt  }
0x4b: {  	_ =	shalt  }
0x4c: {  	_ =	shalt  }
0x4d: {  	_ =	shalt  }
0x4e: {  	_ =	shalt  }
0x4f: {  	_ =	shalt  }
0x50: {  	_ =	shalt  }
0x51: {  	_ =	shalt  }
0x52: {  	_ =	shalt  }
0x53: {  	_ =	shalt  }
0x54: {  	_ =	shalt  }
0x55: {  	_ =	shalt  }
0x56: {  	_ =	shalt  }
0x57: {  	_ =	shalt  }
0x58: {  	_ =	shalt  }
0x59: {  	_ =	shalt  }
0x5a: {  	_ =	shalt  }
0x5b: {  	_ =	shalt  }
0x5c: {  	_ =	shalt  }
0x5d: {  	_ =	shalt  }
0x5e: {  	_ =	shalt  }
0x5f: {  	_ =	shalt  }
0x60: {  	_ =	shalt  }
0x61: {  	_ =	shalt  }
0x62: {  	_ =	shalt  }
0x63: {  	_ =	shalt  }
0x64: {  	_ =	shalt  }
0x65: {  	_ =	shalt  }
0x66: {  	_ =	shalt  }
0x67: {  	_ =	shalt  }
0x68: {  	_ =	shalt  }
0x69: {  	_ =	shalt  }
0x6a: {  	_ =	shalt  }
0x6b: {  	_ =	shalt  }
0x6c: {  	_ =	shalt  }
0x6d: {  	_ =	shalt  }
0x6e: {  	_ =	shalt  }
0x6f: {  	_ =	shalt  }
0x70: {  	_ =	shalt  }
0x71: {  	_ =	shalt  }
0x72: {  	_ =	shalt  }
0x73: {  	_ =	shalt  }
0x74: {  	_ =	shalt  }
0x75: {  	_ =	shalt  }
0x76: {  	_ =	shalt  }
0x77: {  	_ =	shalt  }
0x78: {  	_ =	shalt  }
0x79: {  	_ =	shalt  }
0x7a: {  	_ =	shalt  }
0x7b: {  	_ =	shalt  }
0x7c: {  	_ =	shalt  }
0x7d: {  	_ =	shalt  }
0x7e: {  	_ =	shalt  }
0x7f: {  	_ =	shalt  }
0x80: {  	_ =	shalt  }
0x81: {  	_ =	shalt  }
0x82: {  	_ =	shalt  }
0x83: {  	_ =	shalt  }
0x84: {  	_ =	shalt  }
0x85: {  	_ =	shalt  }
0x86: {  	_ =	shalt  }
0x87: {  	_ =	shalt  }
.Lfunc_end0:
.L_simem_size_0:
called_computation_lowered:
.L_overlay_start_0:
0x88: {  	s2 =	sld [smem:$0x3FD9]  }
0x89: {  	s3 =	sld [smem:$0x3FFE];
	_ =	sdelay $0x1  }
0x8a: {  	s1 =	srdreg.scid  }
0x8b: {  	s0 =	sand.u32 $0x1, s1  }
0x8c: {  	s14 =	sshll.u32 s0, $0xA;
	s2 =	sadd.s32 s3, s2  }
0x8d: {  	s2 =	sadd.s32 s2, s14  }
0x8e: {  	[smem:$0x3FC6] =	sst s2  }
0x8f: {  	_ = 	snop  }
0x90: {  	s2 =	sld [smem:$0x3FD0];
	_ =	sdelay $0x2  }
0x91: {  	s15 =	simm.s32 $0xA;
	s4 =	simm.s32 $0x10  }
0x92: {  	[smem:s4], [sflag:s15] =	dma.local [hbm:s2], $0x1  }
0x93: {  	_ =	swait.eq [sflag:s15], $0x1  }
0x94: {  	[sflag:s15] =	ssyncset.done $0x0  }
0x95: {  	s16 =	sld [smem:$0x10];
	[sflag:s15] =	ssyncadd.s32 $0xFFFFFFFF  }
0x96: {  	s17 =	sld [smem:$0x11];
	(tm) =	ssettm $0x1  }
0x97: {  	s18 =	sld [smem:$0x3FFB];
	_ =	sdelay $0x3  }
0x98: {  	_ =	strace s18  }
0x99: {  	s4 =	sld [smem:$0x3FFC];
	_ =	sdelay $0x3  }
0x9a: {  	_ =	strace s4  }
0x9b: {  	s4 =	sld [smem:$0x3FFD];
	_ =	sdelay $0x3  }
0x9c: {  	_ =	strace s4  }
0x9d: {  	_ =	strace $0x8FFFFFFF  }
0x9e: {  	s19 =	sld [smem:$0x3FDB];
	_ =	sdelay $0x1  }
0x9f: {  	s5 =	simm.s32 $_scs_section_size  }
0xa0: {  	s6 =	simm.s32 $_size__tile_overlayer_lowered;
	s7 =	simm.s32 $_tile_overlayer_lowered  }
0xa1: {  	s22 =	simm.s32 $0x1BFF;
	s21 =	sshll.u32 s7, $0x1;
	s4 =	sadd.s32 s5, s19  }
0xa2: {  	s8 =	simm.s32 $0x0;
	s20 =	sshll.u32 s6, $0x1;
	s6 =	sadd.s32 s21, s4  }
0xa3: {  	[timem:s8], [sflag:s22] =	dma.local [hbm:s6], s20  }
0xa4: {  	_ =	swait.ge [sflag:s22], s20  }
0xa5: {  	s5 =	ssub.s32 $0x0, s20;
	[sflag:s22] =	ssyncset.done $0x0  }
0xa6: {  	[sflag:s22] =	ssyncadd.s32 s5;
	_ =	sdelay $0x1  }
0xa7: {  	s23 =	simm.s32 $0x1B8B  }
0xa8: {  	_ =	swait.ge [sflag:s23], $0x1  }
0xa9: {  	[sflag:s23] =	ssyncset.done $0x0  }
0xaa: {  	s25 =	simm.s32 $0x1B8E;
	s24 =	sld [smem:$0x3FFE];
	[sflag:s23] =	ssyncadd.s32 $0xFFFFFFFF  }
0xab: {  	s26 =	simm.s32 $execute0_lowered;
	[smem:$0x3FD2] =	sst s25  }
0xac: {  	s6 =	sshll.u32 s26, $0x1;
	_ =	strace $0x80000046;
	[dreg:$0x1] =	wrdreg $0xFFFFFFFF  }
0xad: {  	s28 =	simm.s32 $_size_execute0_lowered;
	s4 =	sadd.s32 s4, s6;
	[dreg:$0x0] =	wrdreg $0x0  }
0xae: {  	s6 =	sshll.u32 s28, $0x1;
	[dreg:$0x2] =	wrdreg s4  }
0xaf: {  	[dreg:$0x3] =	wrdreg s6  }
0xb0: {  	[dreg:$0x4] =	wrdreg $0xC0  }
0xb1: {  	_ =	task [dreg:s8], $0x5FFFF  }
0xb2: {  	[dreg:$0x1] =	wrdreg $0xFFFFFFFF  }
0xb3: {  	[dreg:$0x0] =	wrdreg $0x60  }
0xb4: {  	[dreg:$0x2] =	wrdreg s24  }
0xb5: {  	[dreg:$0x3] =	wrdreg s16  }
0xb6: {  	[dreg:$0x4] =	wrdreg s17  }
0xb7: {  	[dreg:$0x5] =	wrdreg $0x9  }
0xb8: {  	_ =	task.clear_ibuf [dreg:s8], $0x6FFFF;
	_ =	strace $0x90000046  }
0xb9: {  	s29 =	simm.s32 $0x9;
	_ =	strace $0x80000048  }
0xba: {  	_ =	swait.ge [sflag:s29], $0x1  }
0xbb: {  	[sflag:s29] =	ssyncadd.s32 $0xFFFFFFFF  }
0xbc: {  	_ =	strace $0x90000048  }
0xbd: {  	_ =	sfence  }
0xbe: {  	s30 =	sld [smem:$0x0];
	_ =	sdelay $0x2  }
0xbf: {  	s31 =	sshll.u32 s1, $0xD;
	s1 =	sshrl.u32 s1, $0x2  }
0xc0: {  	s3 =	sand.u32 $0x4000, s31;
	s1 =	sadd.s32 s1, s30  }
0xc1: {  	s0 =	sor.u32 s3, s0;
	s1 =	sshll.u32 s1, $0x11  }
0xc2: {  	s0 =	sor.u32 s1, s0  }
0xc3: {  	s0 =	sadd.s32 $0x8F2B, s0  }
0xc4: {  	[sflag:s0] =	ssyncadd.remote.s32 $0x1  }
0xc5: {  	_ =	sfence.sel $0xFFFF  }
0xc6: {  	[dreg:$0x0] =	wrdreg $0xFFFFFFFF;
	(pc) =	sbr.abs _section_cstart, $3  }
0xc7: {  	[dreg:$0x1] =	wrdreg $0xFFFFFFFF  }
0xc8: {  	_ =	task.clear_ibuf [dreg:s8], $0x2FFFF;
	_ =	strace $0x9FFFFFFF  }
0xc9: {  	(tm) =	ssettm $0x7FFFFFFF  }
tec
execute0_lowered:
.L_overlay_start_1:
0x0: {  	(tag) =	ssettag $0x1  }
0x1: {  	v0 =	vimm.s32 $0x85058404  }
0x2: {  	v1 =	vimm.s32 $0x87078606;
	vm0 =	vcmask $0x1F10;
	v2 =	vimm.s32 $0x81018000  }
0x3: {  	v3 =	vimm.s32 $0x187;
	vm14 =	vcmask $0x300;
	v4 =	vimm.s32 $0x83038202  }
0x4: {  	vm13 =	vcmask $0x704;
	vm12 =	vcmask $0xB08;
	vm11 =	vcmask $0xF0C  }
0x5: {  	vm10 =	vcmask $0x1310;
	vm9 =	vcmask $0x1714;
	vm1 =	vcmask $0x1B18  }
0x6: {  	vm15 =	vcmask $0x1F1C;
	vm2 =	vcmask $0x2320;
	vm3 =	vcmask $0x2724  }
0x7: {  	vm4 =	vcmask $0x2B28;
	vm5 =	vcmask $0x2F2C;
	vm6 =	vcmask $0x3330  }
0x8: {  	vm7 =	vcmask $0x3734;
	vm8 =	vcmask $0x3B38;
	v5 =	vimm.s32 $0x587  }
0x9: {  	v6 =	vimm.s32 $0x687;
	v7 =	vimm.s32 $0x787;
	v8 =	vimm.s32 $0x887  }
0xa: {  	v9 =	vimm.s32 $0x987;
	v10 =	vimm.s32 $0xA87;
	v11 =	vimm.s32 $0xB87  }
0xb: {  	v12 =	vimm.s32 $0xC87;
	v0 =	vunpack.c.0.s8.s32 v0;
	v1 =	vunpack.c.0.s8.s32 v1  }
0xc: {  	v2 =	vunpack.c.0.s8.s32 v2;
	v3 =	vsel vm14, $0x100, v3;
	v4 =	vunpack.c.0.s8.s32 v4  }
0xd: {  	v5 =	vsel vm14, $0x500, v5;
	v6 =	vsel vm14, $0x600, v6;
	v7 =	vsel vm14, $0x700, v7  }
0xe: {  	v8 =	vsel vm14, $0x800, v8;
	v9 =	vsel vm14, $0x900, v9;
	v10 =	vsel vm14, $0xA00, v10  }
0xf: {  	v11 =	vsel vm14, $0xB00, v11;
	v12 =	vsel vm14, $0xC00, v12;
	v3 =	vsel vm13, $0x180, v3  }
0x10: {  	v5 =	vsel vm13, $0x580, v5;
	v6 =	vsel vm13, $0x680, v6;
	v7 =	vsel vm13, $0x780, v7  }
0x11: {  	v8 =	vsel vm13, $0x880, v8;
	v9 =	vsel vm13, $0x980, v9;
	v10 =	vsel vm13, $0xA80, v10  }
0x12: {  	v11 =	vsel vm13, $0xB80, v11;
	v12 =	vsel vm13, $0xC80, v12;
	v0 =	vsel vm0, v1, v0  }
0x13: {  	v1 =	vsel vm12, $0x101, v3;
	v2 =	vsel vm0, v4, v2;
	v3 =	vimm.s32 $0x387  }
0x14: {  	v4 =	vimm.s32 $0x487;
	v5 =	vsel vm12, $0x501, v5;
	v6 =	vsel vm12, $0x601, v6  }
0x15: {  	v7 =	vsel vm12, $0x701, v7;
	v8 =	vsel vm12, $0x801, v8;
	v9 =	vsel vm12, $0x901, v9  }
0x16: {  	v10 =	vsel vm12, $0xA01, v10;
	v11 =	vsel vm12, $0xB01, v11;
	v12 =	vsel vm12, $0xC01, v12  }
0x17: {  	v1 =	vsel vm11, $0x181, v1;
	v0 =	vcombine.low v2, v0;
	v2 =	vimm.s32 $0x287  }
0x18: {  	v3 =	vsel vm14, $0x300, v3;
	v4 =	vsel vm14, $0x400, v4;
	v5 =	vsel vm11, $0x581, v5  }
0x19: {  	v6 =	vsel vm11, $0x681, v6;
	v7 =	vsel vm11, $0x781, v7;
	v8 =	vsel vm11, $0x881, v8  }
0x1a: {  	v9 =	vsel vm11, $0x981, v9;
	v10 =	vsel vm11, $0xA81, v10;
	v11 =	vsel vm11, $0xB81, v11  }
0x1b: {  	v12 =	vsel vm11, $0xC81, v12;
	v1 =	vsel vm10, $0x102, v1;
	v2 =	vsel vm14, $0x200, v2  }
0x1c: {  	v3 =	vsel vm13, $0x380, v3;
	v4 =	vsel vm13, $0x480, v4;
	v5 =	vsel vm10, $0x502, v5  }
0x1d: {  	v6 =	vsel vm10, $0x602, v6;
	v7 =	vsel vm10, $0x702, v7;
	v8 =	vsel vm10, $0x802, v8  }
0x1e: {  	v9 =	vsel vm10, $0x902, v9;
	v10 =	vsel vm10, $0xA02, v10;
	v11 =	vsel vm10, $0xB02, v11  }
0x1f: {  	v12 =	vsel vm10, $0xC02, v12;
	v1 =	vsel vm9, $0x182, v1;
	v0 =	vand.u32 $0xFF, v0  }
0x20: {  	v2 =	vsel vm13, $0x280, v2;
	v3 =	vsel vm12, $0x301, v3;
	v4 =	vsel vm12, $0x401, v4  }
0x21: {  	v5 =	vsel vm9, $0x582, v5;
	v6 =	vsel vm9, $0x682, v6;
	v7 =	vsel vm9, $0x782, v7  }
0x22: {  	v8 =	vsel vm9, $0x882, v8;
	v9 =	vsel vm9, $0x982, v9;
	v10 =	vsel vm9, $0xA82, v10  }
0x23: {  	v11 =	vsel vm9, $0xB82, v11;
	v12 =	vsel vm9, $0xC82, v12;
	v1 =	vsel vm1, $0x103, v1  }
0x24: {  	v2 =	vsel vm12, $0x201, v2;
	v3 =	vsel vm11, $0x381, v3;
	v4 =	vsel vm11, $0x481, v4  }
0x25: {  	v5 =	vsel vm1, $0x503, v5;
	v6 =	vsel vm1, $0x603, v6;
	v7 =	vsel vm1, $0x703, v7  }
0x26: {  	v8 =	vsel vm1, $0x803, v8;
	v9 =	vsel vm1, $0x903, v9;
	v10 =	vsel vm1, $0xA03, v10  }
0x27: {  	v11 =	vsel vm1, $0xB03, v11;
	v12 =	vsel vm1, $0xC03, v12;
	v1 =	vsel vm15, $0x183, v1  }
0x28: {  	v2 =	vsel vm11, $0x281, v2;
	v3 =	vsel vm10, $0x302, v3;
	v4 =	vsel vm10, $0x402, v4  }
0x29: {  	v5 =	vsel vm15, $0x583, v5;
	v6 =	vsel vm15, $0x683, v6;
	v7 =	vsel vm15, $0x783, v7  }
0x2a: {  	v8 =	vsel vm15, $0x883, v8;
	v9 =	vsel vm15, $0x983, v9;
	v10 =	vsel vm15, $0xA83, v10  }
0x2b: {  	v11 =	vsel vm15, $0xB83, v11;
	v12 =	vsel vm15, $0xC83, v12;
	v1 =	vsel vm2, $0x104, v1  }
0x2c: {  	v2 =	vsel vm10, $0x202, v2;
	v3 =	vsel vm9, $0x382, v3;
	v4 =	vsel vm9, $0x482, v4  }
0x2d: {  	v5 =	vsel vm2, $0x504, v5;
	v6 =	vsel vm2, $0x604, v6;
	v7 =	vsel vm2, $0x704, v7  }
0x2e: {  	v8 =	vsel vm2, $0x804, v8;
	v9 =	vsel vm2, $0x904, v9;
	v10 =	vsel vm2, $0xA04, v10  }
0x2f: {  	v11 =	vsel vm2, $0xB04, v11;
	v12 =	vsel vm2, $0xC04, v12;
	v1 =	vsel vm3, $0x184, v1  }
0x30: {  	v2 =	vsel vm9, $0x282, v2;
	v3 =	vsel vm1, $0x303, v3;
	v4 =	vsel vm1, $0x403, v4  }
0x31: {  	s3 =	rddreg [dreg:$0x0];
	v5 =	vsel vm3, $0x584, v5;
	v6 =	vsel vm3, $0x684, v6;
	v7 =	vsel vm3, $0x784, v7  }
0x32: {  	s0 =	rddreg [dreg:$0x1];
	v8 =	vsel vm3, $0x884, v8;
	v9 =	vsel vm3, $0x984, v9;
	v10 =	vsel vm3, $0xA84, v10  }
0x33: {  	s1 =	rddreg [dreg:$0x2];
	v11 =	vsel vm3, $0xB84, v11;
	v12 =	vsel vm3, $0xC84, v12;
	v1 =	vsel vm4, $0x105, v1  }
0x34: {  	s4 =	srdreg.scid;
	s5 =	stileid.u32;
	s2 =	simm.s32 $0x0;
	v2 =	vsel vm1, $0x203, v2;
	v3 =	vsel vm15, $0x383, v3;
	v4 =	vsel vm15, $0x483, v4  }
0x35: {  	s28 =	simm.s32 $0x1A00;
	s30 =	simm.s32 $0x8200;
	s31 =	simm.s32 $0x2;
	v5 =	vsel vm4, $0x505, v5;
	v6 =	vsel vm4, $0x605, v6;
	v7 =	vsel vm4, $0x705, v7  }
0x36: {  	s4 =	sand.u32 $0x1, s4;
	s5 =	sshll.u32 s5, $0x1;
	[smem:$0x7FF] =	sst s2;
	v8 =	vsel vm4, $0x805, v8;
	v9 =	vsel vm4, $0x905, v9;
	v10 =	vsel vm4, $0xA05, v10  }
0x37: {  	s29 =	simm.s32 $0x3;
	s5 =	sor.u32 s4, s5;
	_ =	strace $0x80000047;
	v11 =	vsel vm4, $0xB05, v11;
	v12 =	vsel vm4, $0xC05, v12;
	v2 =	vsel vm15, $0x283, v2  }
0x38: {  	s4 =	ssub.s32 $0x2, s4;
	s6 =	sshll.u32 s5, $0x4;
	s7 =	smul.u32 $0x34000, s5;
	v1 =	vsel vm5, $0x185, v1;
	v3 =	vsel vm2, $0x304, v3;
	v4 =	vsel vm2, $0x404, v4  }
0x39: {  	s8 =	sshrl.u32 s4, $0x1;
	s5 =	smul.u32 $0x6800, s5;
	s6 =	sadd.s32 s6, s3;
	v5 =	vsel vm5, $0x585, v5;
	v6 =	vsel vm5, $0x685, v6;
	v7 =	vsel vm5, $0x785, v7  }
0x3a: {  	s3 =	sadd.s32 $0x18A600, s3;
	s4 =	ssub.s32 s4, s8;
	s6 =	sadd.s32 $0x800, s6;
	v8 =	vsel vm5, $0x885, v8;
	v9 =	vsel vm5, $0x985, v9;
	v10 =	vsel vm5, $0xA85, v10  }
0x3b: {  	s7 =	sshrl.u32 s7, $0x3;
	s13 =	sadd.s32 s0, s5;
	[dreg:$0x4] =	wrdreg s6;
	v11 =	vsel vm5, $0xB85, v11;
	v12 =	vsel vm5, $0xC85, v12;
	v2 =	vsel vm2, $0x204, v2  }
0x3c: {  	s5 =	sadd.s32 s1, s5;
	s12 =	sadd.s32 $0xD00, s7;
	[dreg:$0x5] =	wrdreg s13;
	v3 =	vsel vm3, $0x384, v3;
	v1 =	vsel vm6, $0x106, v1;
	v4 =	vsel vm3, $0x484, v4  }
0x3d: {  	[dreg:$0x6] =	wrdreg s5;
	s16 =	sadd.s32 $0x1A00, s7;
	s17 =	sadd.s32 $0x2700, s7;
	v5 =	vsel vm6, $0x506, v5;
	v6 =	vsel vm6, $0x606, v6;
	v7 =	vsel vm6, $0x706, v7  }
0x3e: {  	s21 =	sadd.s32 $0x3400, s7;
	s22 =	sadd.s32 $0x4100, s7;
	s14 =	sadd.s32 s0, s12;
	v8 =	vsel vm6, $0x806, v8;
	v9 =	vsel vm6, $0x906, v9;
	v10 =	vsel vm6, $0xA06, v10  }
0x3f: {  	s25 =	sadd.s32 $0x4E00, s7;
	s15 =	sadd.s32 s1, s12;
	[dreg:$0x7] =	wrdreg s14;
	v11 =	vsel vm6, $0xB06, v11;
	v12 =	vsel vm6, $0xC06, v12;
	v2 =	vsel vm3, $0x284, v2  }
0x40: {  	s26 =	sadd.s32 $0x5B00, s7;
	s18 =	sadd.s32 s0, s16;
	[dreg:$0x8] =	wrdreg s15;
	v3 =	vsel vm4, $0x305, v3;
	v1 =	vsel vm7, $0x186, v1;
	v4 =	vsel vm4, $0x405, v4  }
0x41: {  	s6 =	simm.s32 $0x8;
	s5 =	sadd.s32 s1, s16;
	[dreg:$0x9] =	wrdreg s18;
	v5 =	vsel vm7, $0x586, v5;
	v6 =	vsel vm7, $0x686, v6;
	v7 =	vsel vm7, $0x786, v7  }
0x42: {  	s7 =	simm.s32 $0x0;
	s19 =	sadd.s32 s0, s17;
	[dreg:$0xa] =	wrdreg s5;
	v8 =	vsel vm7, $0x886, v8;
	v9 =	vsel vm7, $0x986, v9;
	v10 =	vsel vm7, $0xA86, v10  }
0x43: {  	s20 =	sadd.s32 s1, s17;
	s23 =	sadd.s32 s0, s21;
	[dreg:$0xb] =	wrdreg s19;
	v11 =	vsel vm7, $0xB86, v11;
	v12 =	vsel vm7, $0xC86, v12;
	v2 =	vsel vm4, $0x205, v2  }
0x44: {  	s24 =	sadd.s32 s0, s22;
	s16 =	sadd.s32 s1, s22;
	[dreg:$0xc] =	wrdreg s20;
	v3 =	vsel vm5, $0x385, v3;
	v1 =	vsel vm8, $0x107, v1;
	v4 =	vsel vm5, $0x485, v4  }
0x45: {  	s17 =	sadd.s32 s0, s25;
	s22 =	simm.s32 $0x15200;
	[dreg:$0xd] =	wrdreg s23;
	v5 =	vsel vm8, $0x507, v5;
	v6 =	vsel vm8, $0x607, v6;
	v7 =	vsel vm8, $0x707, v7  }
0x46: {  	s5 =	sadd.s32 s1, s21;
	[dreg:$0xf] =	wrdreg s24;
	s18 =	sadd.s32 s1, s25;
	v8 =	vsel vm8, $0x807, v8;
	v9 =	vsel vm8, $0x907, v9;
	v10 =	vsel vm8, $0xA07, v10  }
0x47: {  	s19 =	sadd.s32 s0, s26;
	s20 =	sadd.s32 s1, s26;
	s21 =	smax.u32 s4, $0x1;
	v11 =	vsel vm8, $0xB07, v11;
	v12 =	vsel vm8, $0xC07, v12;
	v2 =	vsel vm5, $0x285, v2  }
0x48: {  	s24 =	simm.s32 $0x9;
	s25 =	simm.s32 $0x1A0;
	s0 =	simm.s32 $0xEA00;
	v3 =	vsel vm6, $0x306, v3;
	v4 =	vsel vm6, $0x406, v4;
	v2 =	vsel vm6, $0x206, v2  }
0x49: {  	s23 =	simm.s32 $0x1;
	s26 =	simm.s32 $0x5;
	s1 =	simm.s32 $0x6;
	v3 =	vsel vm7, $0x386, v3;
	v4 =	vsel vm7, $0x486, v4;
	v2 =	vsel vm7, $0x286, v2  }
0x4a: {  	s4 =	simm.s32 $0x7;
	[dreg:$0xe] =	wrdreg s5;
	s5 =	simm.s32 $0x4;
	v3 =	vsel vm8, $0x307, v3;
	v4 =	vsel vm8, $0x407, v4;
	v2 =	vsel vm8, $0x207, v2  }
.LBB2_1:
0x4b: {  	v13 =	vmov s2  }
0x4c: {  	v13 =	vshrl.u32 v13, $0x3  }
0x4d: {  	s9 =	smul.u32 $0xD, s2;
	v13 =	vshll.u32 v13, $0x3  }
0x4e: {  	s8 =	rddreg [dreg:$0x4];
	s10 =	simm.s32 $0x80;
	s11 =	simm.s32 $0x1000;
	v13 =	vbroadcast v13, $0x0  }
0x4f: {  	[tilespmem:s2], [sflag:$0x9] =	stream.strided.gather [hbm4b:s8+s10], $0xD00, s11, s10, $0x38;
	[tilespmem:$0x1BA00] =	vst v63  }
0x50: {  	s11 =	sand.u32 $0xFF, s9;
	v14 =	vor.u32 v0, v13  }
0x51: {  	s8 =	smul.u32 $0x4F, s11  }
0x52: {  	_ =	swait.ge [sflag:s24], $0xD00  }
0x53: {  	[sflag:s24] =	ssyncset.done $0x0;
	s8 =	sshrl.u32 s8, $0xB  }
0x54: {  	[sflag:s24] =	ssyncadd.s32 $0xFFFFF300;
	s8 =	smul.u32 $0x1A, s8  }
0x55: {  	s12 =	simm.s32 $0x0;
	s13 =	sadd.s32 $0x1, s9;
	v14 =	vld.idx.msk [tilespmem:v14+s2+$0x0], $0xffff  }
0x56: {  	s10 =	smul.u32 $0x680, s12;
	s12 =	sand.u32 $0xFF, s13;
	v15 =	vor.u32 v1, v13;
	s8 =	ssub.s32 s9, s8  }
0x57: {  	s12 =	smul.u32 $0x4F, s12;
	s8 =	sand.u32 $0xFF, s8  }
0x58: {  	s10 =	sshra.s32 s10, $0x2;
	s8 =	sshll.u32 s8, $0x4  }
0x59: {  	s14 =	sshrl.u32 s12, $0xB;
	s8 =	sadd.s32 s8, s10  }
0x5a: {  	s15 =	smul.u32 $0x1A, s14;
	[tilespmem:s8+$0xD00] =	vst v14  }
0x5b: {  	s12 =	sadd.s32 $0x2, s9;
	v14 =	vld.idx.msk [tilespmem:v15+s2+$0x0], $0xffff  }
0x5c: {  	s10 =	smul.u32 $0x680, s14;
	s8 =	ssub.s32 s13, s15;
	s13 =	sand.u32 $0xFF, s12;
	v15 =	vor.u32 v2, v13  }
0x5d: {  	s8 =	sand.u32 $0xFF, s8;
	s11 =	smul.u32 $0x4F, s13  }
0x5e: {  	s10 =	sshrl.u32 s10, $0x2;
	s8 =	sshll.u32 s8, $0x4  }
0x5f: {  	s8 =	sadd.s32 s8, s10;
	s14 =	sshrl.u32 s11, $0xB  }
0x60: {  	s15 =	smul.u32 $0x1A, s14;
	[tilespmem:s8+$0xD00] =	vst v14  }
0x61: {  	s11 =	sadd.s32 $0x3, s9;
	v14 =	vld.idx.msk [tilespmem:v15+s2+$0x0], $0xffff  }
0x62: {  	s10 =	smul.u32 $0x680, s14;
	s13 =	sand.u32 $0xFF, s11;
	s8 =	ssub.s32 s12, s15;
	v15 =	vor.u32 v3, v13  }
0x63: {  	s12 =	smul.u32 $0x4F, s13;
	s8 =	sand.u32 $0xFF, s8  }
0x64: {  	s10 =	sshrl.u32 s10, $0x2;
	s8 =	sshll.u32 s8, $0x4  }
0x65: {  	s14 =	sshrl.u32 s12, $0xB;
	s8 =	sadd.s32 s8, s10  }
0x66: {  	s15 =	smul.u32 $0x1A, s14;
	[tilespmem:s8+$0xD00] =	vst v14  }
0x67: {  	s12 =	sadd.s32 $0x4, s9;
	v14 =	vld.idx.msk [tilespmem:v15+s2+$0x0], $0xffff  }
0x68: {  	s10 =	smul.u32 $0x680, s14;
	s13 =	sand.u32 $0xFF, s12;
	s8 =	ssub.s32 s11, s15;
	v15 =	vor.u32 v4, v13  }
0x69: {  	s11 =	smul.u32 $0x4F, s13;
	s8 =	sand.u32 $0xFF, s8  }
0x6a: {  	s10 =	sshrl.u32 s10, $0x2;
	s8 =	sshll.u32 s8, $0x4  }
0x6b: {  	s14 =	sshrl.u32 s11, $0xB;
	s8 =	sadd.s32 s8, s10  }
0x6c: {  	s15 =	smul.u32 $0x1A, s14;
	[tilespmem:s8+$0xD00] =	vst v14  }
0x6d: {  	s11 =	sadd.s32 $0x5, s9;
	v14 =	vld.idx.msk [tilespmem:v15+s2+$0x0], $0xffff  }
0x6e: {  	s10 =	smul.u32 $0x680, s14;
	s13 =	sand.u32 $0xFF, s11;
	s8 =	ssub.s32 s12, s15;
	v15 =	vor.u32 v5, v13  }
0x6f: {  	s12 =	smul.u32 $0x4F, s13;
	s8 =	sand.u32 $0xFF, s8  }
0x70: {  	s10 =	sshrl.u32 s10, $0x2;
	s8 =	sshll.u32 s8, $0x4  }
0x71: {  	s14 =	sshrl.u32 s12, $0xB;
	s8 =	sadd.s32 s8, s10  }
0x72: {  	s15 =	smul.u32 $0x1A, s14;
	[tilespmem:s8+$0xD00] =	vst v14  }
0x73: {  	s12 =	sadd.s32 $0x6, s9;
	v14 =	vld.idx.msk [tilespmem:v15+s2+$0x0], $0xffff  }
0x74: {  	s10 =	smul.u32 $0x680, s14;
	s13 =	sand.u32 $0xFF, s12;
	s8 =	ssub.s32 s11, s15;
	v15 =	vor.u32 v6, v13  }
0x75: {  	s11 =	smul.u32 $0x4F, s13;
	s8 =	sand.u32 $0xFF, s8  }
0x76: {  	s10 =	sshrl.u32 s10, $0x2;
	s8 =	sshll.u32 s8, $0x4  }
0x77: {  	s14 =	sshrl.u32 s11, $0xB;
	s8 =	sadd.s32 s8, s10  }
0x78: {  	s15 =	smul.u32 $0x1A, s14;
	[tilespmem:s8+$0xD00] =	vst v14  }
0x79: {  	s11 =	sadd.s32 $0x7, s9;
	v14 =	vld.idx.msk [tilespmem:v15+s2+$0x0], $0xffff  }
0x7a: {  	s10 =	smul.u32 $0x680, s14;
	s13 =	sand.u32 $0xFF, s11;
	s8 =	ssub.s32 s12, s15;
	v15 =	vor.u32 v7, v13  }
0x7b: {  	s12 =	smul.u32 $0x4F, s13;
	s8 =	sand.u32 $0xFF, s8  }
0x7c: {  	s10 =	sshrl.u32 s10, $0x2;
	s8 =	sshll.u32 s8, $0x4  }
0x7d: {  	s14 =	sshrl.u32 s12, $0xB;
	s8 =	sadd.s32 s8, s10  }
0x7e: {  	s15 =	smul.u32 $0x1A, s14;
	[tilespmem:s8+$0xD00] =	vst v14  }
0x7f: {  	s12 =	sadd.s32 $0x8, s9;
	v14 =	vld.idx.msk [tilespmem:v15+s2+$0x0], $0xffff  }
0x80: {  	s10 =	smul.u32 $0x680, s14;
	s13 =	sand.u32 $0xFF, s12;
	s8 =	ssub.s32 s11, s15;
	v15 =	vor.u32 v8, v13  }
0x81: {  	s11 =	smul.u32 $0x4F, s13;
	s8 =	sand.u32 $0xFF, s8  }
0x82: {  	s10 =	sshrl.u32 s10, $0x2;
	s8 =	sshll.u32 s8, $0x4  }
0x83: {  	s14 =	sshrl.u32 s11, $0xB;
	s8 =	sadd.s32 s8, s10  }
0x84: {  	s15 =	smul.u32 $0x1A, s14;
	[tilespmem:s8+$0xD00] =	vst v14  }
0x85: {  	s11 =	sadd.s32 $0x9, s9;
	v14 =	vld.idx.msk [tilespmem:v15+s2+$0x0], $0xffff  }
0x86: {  	s10 =	smul.u32 $0x680, s14;
	s13 =	sand.u32 $0xFF, s11;
	s8 =	ssub.s32 s12, s15;
	v15 =	vor.u32 v9, v13  }
0x87: {  	s12 =	smul.u32 $0x4F, s13;
	s8 =	sand.u32 $0xFF, s8  }
0x88: {  	s10 =	sshrl.u32 s10, $0x2;
	s8 =	sshll.u32 s8, $0x4  }
0x89: {  	s14 =	sshrl.u32 s12, $0xB;
	s8 =	sadd.s32 s8, s10  }
0x8a: {  	s15 =	smul.u32 $0x1A, s14;
	[tilespmem:s8+$0xD00] =	vst v14  }
0x8b: {  	s12 =	sadd.s32 $0xA, s9;
	v14 =	vld.idx.msk [tilespmem:v15+s2+$0x0], $0xffff  }
0x8c: {  	s10 =	smul.u32 $0x680, s14;
	s13 =	sand.u32 $0xFF, s12;
	s8 =	ssub.s32 s11, s15;
	v15 =	vor.u32 v10, v13  }
0x8d: {  	s14 =	smul.u32 $0x4F, s13;
	s8 =	sand.u32 $0xFF, s8  }
0x8e: {  	s10 =	sshrl.u32 s10, $0x2;
	s8 =	sshll.u32 s8, $0x4  }
0x8f: {  	s11 =	sshrl.u32 s14, $0xB;
	s8 =	sadd.s32 s8, s10  }
0x90: {  	s10 =	smul.u32 $0x1A, s11;
	[tilespmem:s8+$0xD00] =	vst v14  }
0x91: {  	s13 =	sadd.s32 $0xB, s9;
	v14 =	vld.idx.msk [tilespmem:v15+s2+$0x0], $0xffff  }
0x92: {  	s14 =	sand.u32 $0xFF, s13;
	s11 =	smul.u32 $0x680, s11;
	s10 =	ssub.s32 s12, s10;
	v15 =	vor.u32 v11, v13  }
0x93: {  	s15 =	smul.u32 $0x4F, s14;
	s10 =	sand.u32 $0xFF, s10  }
0x94: {  	s11 =	sshrl.u32 s11, $0x2;
	s10 =	sshll.u32 s10, $0x4  }
0x95: {  	s14 =	sshrl.u32 s15, $0xB;
	s10 =	sadd.s32 s10, s11  }
0x96: {  	s15 =	smul.u32 $0x1A, s14;
	[tilespmem:s10+$0xD00] =	vst v14  }
0x97: {  	s12 =	sadd.s32 $0xC, s9;
	s9 =	simm.s32 $0x8;
	v14 =	vld.idx.msk [tilespmem:v15+s2+$0x0], $0xffff  }
0x98: {  	s11 =	ssub.s32 s13, s15;
	s13 =	smul.u32 $0x680, s14;
	s14 =	sand.u32 $0xFF, s12;
	v15 =	vor.u32 v12, v13  }
0x99: {  	s8 =	simm.s32 $0x1;
	s15 =	sand.u32 $0xFF, s11;
	s11 =	smul.u32 $0x4F, s14  }
0x9a: {  	s13 =	sshrl.u32 s13, $0x2;
	s14 =	sshll.u32 s15, $0x4;
	s10 =	simm.s32 $0x2;
	v13 =	vmov s9  }
.LBB2_2:
0x9b: {  	p0 =	sne.s32 s10, $0xF;
	v13 =	vshrl.u32 v13, $0x3;
	s13 =	sadd.s32 s14, s13  }
0x9c: {  	v13 =	vshll.u32 v13, $0x3;
	[tilespmem:s13+$0xD00] =	vst v14;
	s13 =	sshrl.u32 s11, $0xB  }
0x9d: {  	v13 =	vbroadcast v13, $0x0;
	v14 =	vld.idx.msk [tilespmem:v15+s2+$0x0], $0xffff;
	s14 =	smul.u32 $0x1A, s13  }
0x9e: {  	s11 =	smul.u32 $0xD, s8  }
0x9f: {  	s13 =	smul.u32 $0x680, s13;
	v15 =	vor.u32 v0, v13;
	s12 =	ssub.s32 s12, s14  }
0xa0: {  	s14 =	sand.u32 $0xFF, s11;
	s12 =	sand.u32 $0xFF, s12  }
0xa1: {  	s13 =	sshrl.u32 s13, $0x2;
	s14 =	smul.u32 $0x4F, s14;
	s12 =	sshll.u32 s12, $0x4  }
0xa2: {  	s12 =	sadd.s32 s12, s13  }
0xa3: {  	s13 =	sshrl.u32 s14, $0xB;
	[tilespmem:s12+$0xD00] =	vst v14  }
0xa4: {  	s12 =	smul.u32 $0x1A, s13;
	v14 =	vld.idx.msk [tilespmem:v15+s2+$0x0], $0xffff  }
0xa5: {  	s13 =	sshrl.u32 s8, $0x1;
	s8 =	smov.u32 s10  }
0xa6: {  	s14 =	sadd.s32 $0x1, s11;
	s13 =	smul.u32 $0x680, s13;
	v15 =	vor.u32 v1, v13;
	s12 =	ssub.s32 s11, s12  }
0xa7: {  	s15 =	sand.u32 $0xFF, s14;
	s12 =	sand.u32 $0xFF, s12  }
0xa8: {  	s15 =	smul.u32 $0x4F, s15;
	s13 =	sshra.s32 s13, $0x2;
	s12 =	sshll.u32 s12, $0x4  }
0xa9: {  	s12 =	sadd.s32 s12, s13  }
0xaa: {  	[tilespmem:s12+$0xD00] =	vst v14;
	s12 =	sshrl.u32 s15, $0xB  }
0xab: {  	v14 =	vld.idx.msk [tilespmem:v15+s2+$0x0], $0xffff;
	s13 =	smul.u32 $0x1A, s12;
	_ =	sdelay $0x1  }
0xac: {  	s12 =	smul.u32 $0x680, s12;
	v15 =	vor.u32 v2, v13;
	s13 =	ssub.s32 s14, s13;
	s14 =	sadd.s32 $0x2, s11  }
0xad: {  	s13 =	sand.u32 $0xFF, s13;
	s15 =	sand.u32 $0xFF, s14  }
0xae: {  	s12 =	sshrl.u32 s12, $0x2;
	s13 =	sshll.u32 s13, $0x4;
	s15 =	smul.u32 $0x4F, s15  }
0xaf: {  	s12 =	sadd.s32 s13, s12  }
0xb0: {  	[tilespmem:s12+$0xD00] =	vst v14;
	s12 =	sshrl.u32 s15, $0xB  }
0xb1: {  	v14 =	vld.idx.msk [tilespmem:v15+s2+$0x0], $0xffff;
	s13 =	smul.u32 $0x1A, s12;
	_ =	sdelay $0x1  }
0xb2: {  	s12 =	smul.u32 $0x680, s12;
	v15 =	vor.u32 v3, v13;
	s13 =	ssub.s32 s14, s13;
	s14 =	sadd.s32 $0x3, s11  }
0xb3: {  	s13 =	sand.u32 $0xFF, s13;
	s15 =	sand.u32 $0xFF, s14  }
0xb4: {  	s12 =	sshrl.u32 s12, $0x2;
	s13 =	sshll.u32 s13, $0x4;
	s15 =	smul.u32 $0x4F, s15  }
0xb5: {  	s12 =	sadd.s32 s13, s12  }
0xb6: {  	[tilespmem:s12+$0xD00] =	vst v14;
	s12 =	sshrl.u32 s15, $0xB  }
0xb7: {  	v14 =	vld.idx.msk [tilespmem:v15+s2+$0x0], $0xffff;
	s13 =	smul.u32 $0x1A, s12;
	_ =	sdelay $0x1  }
0xb8: {  	s12 =	smul.u32 $0x680, s12;
	v15 =	vor.u32 v4, v13;
	s13 =	ssub.s32 s14, s13;
	s14 =	sadd.s32 $0x4, s11  }
0xb9: {  	s13 =	sand.u32 $0xFF, s13;
	s15 =	sand.u32 $0xFF, s14  }
0xba: {  	s12 =	sshrl.u32 s12, $0x2;
	s13 =	sshll.u32 s13, $0x4;
	s15 =	smul.u32 $0x4F, s15  }
0xbb: {  	s12 =	sadd.s32 s13, s12  }
0xbc: {  	[tilespmem:s12+$0xD00] =	vst v14;
	s12 =	sshrl.u32 s15, $0xB  }
0xbd: {  	v14 =	vld.idx.msk [tilespmem:v15+s2+$0x0], $0xffff;
	s13 =	smul.u32 $0x1A, s12;
	_ =	sdelay $0x1  }
0xbe: {  	s12 =	smul.u32 $0x680, s12;
	v15 =	vor.u32 v5, v13;
	s13 =	ssub.s32 s14, s13;
	s14 =	sadd.s32 $0x5, s11  }
0xbf: {  	s13 =	sand.u32 $0xFF, s13;
	s15 =	sand.u32 $0xFF, s14  }
0xc0: {  	s12 =	sshrl.u32 s12, $0x2;
	s13 =	sshll.u32 s13, $0x4;
	s15 =	smul.u32 $0x4F, s15  }
0xc1: {  	s12 =	sadd.s32 s13, s12  }
0xc2: {  	[tilespmem:s12+$0xD00] =	vst v14;
	s12 =	sshrl.u32 s15, $0xB  }
0xc3: {  	v14 =	vld.idx.msk [tilespmem:v15+s2+$0x0], $0xffff;
	s13 =	smul.u32 $0x1A, s12;
	_ =	sdelay $0x1  }
0xc4: {  	s12 =	smul.u32 $0x680, s12;
	v15 =	vor.u32 v6, v13;
	s13 =	ssub.s32 s14, s13;
	s14 =	sadd.s32 $0x6, s11  }
0xc5: {  	s13 =	sand.u32 $0xFF, s13;
	s15 =	sand.u32 $0xFF, s14  }
0xc6: {  	s12 =	sshrl.u32 s12, $0x2;
	s13 =	sshll.u32 s13, $0x4;
	s15 =	smul.u32 $0x4F, s15  }
0xc7: {  	s12 =	sadd.s32 s13, s12  }
0xc8: {  	[tilespmem:s12+$0xD00] =	vst v14;
	s12 =	sshrl.u32 s15, $0xB  }
0xc9: {  	v14 =	vld.idx.msk [tilespmem:v15+s2+$0x0], $0xffff;
	s13 =	smul.u32 $0x1A, s12;
	_ =	sdelay $0x1  }
0xca: {  	s12 =	smul.u32 $0x680, s12;
	v15 =	vor.u32 v7, v13;
	s13 =	ssub.s32 s14, s13;
	s14 =	sadd.s32 $0x7, s11  }
0xcb: {  	s13 =	sand.u32 $0xFF, s13;
	s15 =	sand.u32 $0xFF, s14  }
0xcc: {  	s12 =	sshrl.u32 s12, $0x2;
	s13 =	sshll.u32 s13, $0x4;
	s15 =	smul.u32 $0x4F, s15  }
0xcd: {  	s12 =	sadd.s32 s13, s12  }
0xce: {  	[tilespmem:s12+$0xD00] =	vst v14;
	s12 =	sshrl.u32 s15, $0xB  }
0xcf: {  	v14 =	vld.idx.msk [tilespmem:v15+s2+$0x0], $0xffff;
	s13 =	smul.u32 $0x1A, s12;
	_ =	sdelay $0x1  }
0xd0: {  	s12 =	smul.u32 $0x680, s12;
	v15 =	vor.u32 v8, v13;
	s13 =	ssub.s32 s14, s13;
	s14 =	sadd.s32 $0x8, s11  }
0xd1: {  	s13 =	sand.u32 $0xFF, s13;
	s15 =	sand.u32 $0xFF, s14  }
0xd2: {  	s12 =	sshrl.u32 s12, $0x2;
	s13 =	sshll.u32 s13, $0x4;
	s15 =	smul.u32 $0x4F, s15  }
0xd3: {  	s12 =	sadd.s32 s13, s12  }
0xd4: {  	[tilespmem:s12+$0xD00] =	vst v14;
	s12 =	sshrl.u32 s15, $0xB  }
0xd5: {  	v14 =	vld.idx.msk [tilespmem:v15+s2+$0x0], $0xffff;
	s13 =	smul.u32 $0x1A, s12;
	_ =	sdelay $0x1  }
0xd6: {  	s12 =	smul.u32 $0x680, s12;
	v15 =	vor.u32 v9, v13;
	s13 =	ssub.s32 s14, s13;
	s14 =	sadd.s32 $0x9, s11  }
0xd7: {  	s13 =	sand.u32 $0xFF, s13;
	s15 =	sand.u32 $0xFF, s14  }
0xd8: {  	s12 =	sshrl.u32 s12, $0x2;
	s13 =	sshll.u32 s13, $0x4;
	s15 =	smul.u32 $0x4F, s15  }
0xd9: {  	s12 =	sadd.s32 s13, s12  }
0xda: {  	[tilespmem:s12+$0xD00] =	vst v14;
	s12 =	sshrl.u32 s15, $0xB  }
0xdb: {  	v14 =	vld.idx.msk [tilespmem:v15+s2+$0x0], $0xffff;
	s13 =	smul.u32 $0x1A, s12;
	_ =	sdelay $0x1  }
0xdc: {  	s12 =	smul.u32 $0x680, s12;
	v15 =	vor.u32 v10, v13;
	s13 =	ssub.s32 s14, s13;
	s14 =	sadd.s32 $0xA, s11  }
0xdd: {  	s13 =	sand.u32 $0xFF, s13;
	s15 =	sand.u32 $0xFF, s14  }
0xde: {  	s12 =	sshrl.u32 s12, $0x2;
	s13 =	sshll.u32 s13, $0x4;
	s15 =	smul.u32 $0x4F, s15  }
0xdf: {  	s12 =	sadd.s32 s13, s12  }
0xe0: {  	[tilespmem:s12+$0xD00] =	vst v14;
	s12 =	sshrl.u32 s15, $0xB  }
0xe1: {  	s13 =	smul.u32 $0x1A, s12  }
0xe2: {  	v14 =	vld.idx.msk [tilespmem:v15+s2+$0x0], $0xffff  }
0xe3: {  	s13 =	ssub.s32 s14, s13;
	s14 =	sadd.s32 $0xB, s11  }
0xe4: {  	s12 =	smul.u32 $0x680, s12;
	v15 =	vor.u32 v11, v13;
	s15 =	sand.u32 $0xFF, s14  }
0xe5: {  	s13 =	sand.u32 $0xFF, s13;
	s15 =	smul.u32 $0x4F, s15  }
0xe6: {  	s12 =	sshrl.u32 s12, $0x2;
	s13 =	sshll.u32 s13, $0x4  }
0xe7: {  	s12 =	sadd.s32 s13, s12;
	s13 =	sshrl.u32 s15, $0xB  }
0xe8: {  	[tilespmem:s12+$0xD00] =	vst v14;
	s15 =	smul.u32 $0x1A, s13  }
.Ltmp0:
0xe9: {  	v14 =	vld.idx.msk [tilespmem:v15+s2+$0x0], $0xffff;
	(pc) =	sbr.rel @p0 .LBB2_2-.Ltmp0, $4  }
0xea: {  	s12 =	sadd.s32 $0xC, s11  }
0xeb: {  	s13 =	smul.u32 $0x680, s13;
	v15 =	vor.u32 v12, v13;
	s11 =	ssub.s32 s14, s15;
	s14 =	sand.u32 $0xFF, s12  }
0xec: {  	s9 =	sadd.s32 $0x8, s9;
	s15 =	sand.u32 $0xFF, s11;
	s11 =	smul.u32 $0x4F, s14  }
0xed: {  	s10 =	sadd.s32 $0x1, s10;
	v13 =	vmov s9;
	s13 =	sshrl.u32 s13, $0x2;
	s14 =	sshll.u32 s15, $0x4  }
0xee: {  	_ = 	snop  }
0xef: {  	v13 =	vshrl.u32 v13, $0x3;
	s10 =	sshrl.u32 s11, $0xB  }
0xf0: {  	s9 =	sadd.s32 s14, s13;
	v13 =	vshll.u32 v13, $0x3;
	s11 =	smul.u32 $0x1A, s10  }
0xf1: {  	[tilespmem:s9+$0xD00] =	vst v14;
	s9 =	smul.u32 $0xD, s8;
	v13 =	vbroadcast v13, $0x0  }
0xf2: {  	v14 =	vld.idx.msk [tilespmem:v15+s2+$0x0], $0xffff  }
0xf3: {  	s10 =	smul.u32 $0x680, s10;
	s11 =	ssub.s32 s12, s11;
	s14 =	sand.u32 $0xFF, s9;
	v15 =	vor.u32 v0, v13  }
0xf4: {  	s11 =	sand.u32 $0xFF, s11;
	s12 =	smul.u32 $0x4F, s14  }
0xf5: {  	s10 =	sshrl.u32 s10, $0x2;
	s11 =	sshll.u32 s11, $0x4  }
0xf6: {  	s10 =	sadd.s32 s11, s10;
	s15 =	sshrl.u32 s12, $0xB  }
0xf7: {  	[tilespmem:s10+$0xD00] =	vst v14;
	s12 =	smul.u32 $0x1A, s15  }
0xf8: {  	s13 =	sshrl.u32 s8, $0x1;
	s11 =	sadd.s32 $0x1, s9;
	v14 =	vld.idx.msk [tilespmem:v15+s2+$0x0], $0xffff  }
0xf9: {  	s8 =	smul.u32 $0x680, s13;
	s14 =	sand.u32 $0xFF, s11;
	s10 =	ssub.s32 s9, s12;
	v15 =	vor.u32 v1, v13  }
0xfa: {  	s12 =	smul.u32 $0x4F, s14;
	s10 =	sand.u32 $0xFF, s10  }
0xfb: {  	s8 =	sshra.s32 s8, $0x2;
	s10 =	sshll.u32 s10, $0x4  }
0xfc: {  	s15 =	sshrl.u32 s12, $0xB;
	s8 =	sadd.s32 s10, s8  }
0xfd: {  	s13 =	smul.u32 $0x1A, s15;
	[tilespmem:s8+$0xD00] =	vst v14  }
0xfe: {  	s12 =	sadd.s32 $0x2, s9;
	v14 =	vld.idx.msk [tilespmem:v15+s2+$0x0], $0xffff  }
0xff: {  	s10 =	smul.u32 $0x680, s15;
	s14 =	sand.u32 $0xFF, s12;
	s8 =	ssub.s32 s11, s13;
	v15 =	vor.u32 v2, v13  }
0x100: {  	s11 =	smul.u32 $0x4F, s14;
	s8 =	sand.u32 $0xFF, s8  }
0x101: {  	s10 =	sshrl.u32 s10, $0x2;
	s8 =	sshll.u32 s8, $0x4  }
0x102: {  	s15 =	sshrl.u32 s11, $0xB;
	s8 =	sadd.s32 s8, s10  }
0x103: {  	s13 =	smul.u32 $0x1A, s15;
	[tilespmem:s8+$0xD00] =	vst v14  }
0x104: {  	s11 =	sadd.s32 $0x3, s9;
	v14 =	vld.idx.msk [tilespmem:v15+s2+$0x0], $0xffff  }
0x105: {  	s10 =	smul.u32 $0x680, s15;
	s14 =	sand.u32 $0xFF, s11;
	s8 =	ssub.s32 s12, s13;
	v15 =	vor.u32 v3, v13  }
0x106: {  	s12 =	smul.u32 $0x4F, s14;
	s8 =	sand.u32 $0xFF, s8  }
0x107: {  	s10 =	sshrl.u32 s10, $0x2;
	s8 =	sshll.u32 s8, $0x4  }
0x108: {  	s15 =	sshrl.u32 s12, $0xB;
	s8 =	sadd.s32 s8, s10  }
0x109: {  	s13 =	smul.u32 $0x1A, s15;
	[tilespmem:s8+$0xD00] =	vst v14  }
0x10a: {  	s12 =	sadd.s32 $0x4, s9;
	v14 =	vld.idx.msk [tilespmem:v15+s2+$0x0], $0xffff  }
0x10b: {  	s10 =	smul.u32 $0x680, s15;
	s14 =	sand.u32 $0xFF, s12;
	s8 =	ssub.s32 s11, s13;
	v15 =	vor.u32 v4, v13  }
0x10c: {  	s11 =	smul.u32 $0x4F, s14;
	s8 =	sand.u32 $0xFF, s8  }
0x10d: {  	s10 =	sshrl.u32 s10, $0x2;
	s8 =	sshll.u32 s8, $0x4  }
0x10e: {  	s15 =	sshrl.u32 s11, $0xB;
	s8 =	sadd.s32 s8, s10  }
0x10f: {  	s13 =	smul.u32 $0x1A, s15;
	[tilespmem:s8+$0xD00] =	vst v14  }
0x110: {  	s11 =	sadd.s32 $0x5, s9;
	v14 =	vld.idx.msk [tilespmem:v15+s2+$0x0], $0xffff  }
0x111: {  	s10 =	smul.u32 $0x680, s15;
	s14 =	sand.u32 $0xFF, s11;
	s8 =	ssub.s32 s12, s13;
	v15 =	vor.u32 v5, v13  }
0x112: {  	s12 =	smul.u32 $0x4F, s14;
	s8 =	sand.u32 $0xFF, s8  }
0x113: {  	s10 =	sshrl.u32 s10, $0x2;
	s8 =	sshll.u32 s8, $0x4  }
0x114: {  	s15 =	sshrl.u32 s12, $0xB;
	s8 =	sadd.s32 s8, s10  }
0x115: {  	s13 =	smul.u32 $0x1A, s15;
	[tilespmem:s8+$0xD00] =	vst v14  }
0x116: {  	s12 =	sadd.s32 $0x6, s9;
	v14 =	vld.idx.msk [tilespmem:v15+s2+$0x0], $0xffff  }
0x117: {  	s10 =	smul.u32 $0x680, s15;
	s14 =	sand.u32 $0xFF, s12;
	s8 =	ssub.s32 s11, s13;
	v15 =	vor.u32 v6, v13  }
0x118: {  	s11 =	smul.u32 $0x4F, s14;
	s8 =	sand.u32 $0xFF, s8  }
0x119: {  	s10 =	sshrl.u32 s10, $0x2;
	s8 =	sshll.u32 s8, $0x4  }
0x11a: {  	s15 =	sshrl.u32 s11, $0xB;
	s8 =	sadd.s32 s8, s10  }
0x11b: {  	s13 =	smul.u32 $0x1A, s15;
	[tilespmem:s8+$0xD00] =	vst v14  }
0x11c: {  	s11 =	sadd.s32 $0x7, s9;
	v14 =	vld.idx.msk [tilespmem:v15+s2+$0x0], $0xffff  }
0x11d: {  	s10 =	smul.u32 $0x680, s15;
	s14 =	sand.u32 $0xFF, s11;
	s8 =	ssub.s32 s12, s13;
	v15 =	vor.u32 v7, v13  }
0x11e: {  	s12 =	smul.u32 $0x4F, s14;
	s8 =	sand.u32 $0xFF, s8  }
0x11f: {  	s10 =	sshrl.u32 s10, $0x2;
	s8 =	sshll.u32 s8, $0x4  }
0x120: {  	s15 =	sshrl.u32 s12, $0xB;
	s8 =	sadd.s32 s8, s10  }
0x121: {  	s13 =	smul.u32 $0x1A, s15;
	[tilespmem:s8+$0xD00] =	vst v14  }
0x122: {  	s12 =	sadd.s32 $0x8, s9;
	v14 =	vld.idx.msk [tilespmem:v15+s2+$0x0], $0xffff  }
0x123: {  	s10 =	smul.u32 $0x680, s15;
	s14 =	sand.u32 $0xFF, s12;
	s8 =	ssub.s32 s11, s13;
	v15 =	vor.u32 v8, v13  }
0x124: {  	s11 =	smul.u32 $0x4F, s14;
	s8 =	sand.u32 $0xFF, s8  }
0x125: {  	s10 =	sshrl.u32 s10, $0x2;
	s8 =	sshll.u32 s8, $0x4  }
0x126: {  	s15 =	sshrl.u32 s11, $0xB;
	s8 =	sadd.s32 s8, s10  }
0x127: {  	s13 =	smul.u32 $0x1A, s15;
	[tilespmem:s8+$0xD00] =	vst v14  }
0x128: {  	s11 =	sadd.s32 $0x9, s9;
	v14 =	vld.idx.msk [tilespmem:v15+s2+$0x0], $0xffff  }
0x129: {  	s10 =	smul.u32 $0x680, s15;
	s14 =	sand.u32 $0xFF, s11;
	s8 =	ssub.s32 s12, s13;
	v15 =	vor.u32 v9, v13  }
0x12a: {  	s12 =	smul.u32 $0x4F, s14;
	s8 =	sand.u32 $0xFF, s8  }
0x12b: {  	s10 =	sshrl.u32 s10, $0x2;
	s8 =	sshll.u32 s8, $0x4  }
0x12c: {  	s15 =	sshrl.u32 s12, $0xB;
	s8 =	sadd.s32 s8, s10  }
0x12d: {  	s13 =	smul.u32 $0x1A, s15;
	[tilespmem:s8+$0xD00] =	vst v14  }
0x12e: {  	s12 =	sadd.s32 $0xA, s9;
	v14 =	vld.idx.msk [tilespmem:v15+s2+$0x0], $0xffff  }
0x12f: {  	s10 =	smul.u32 $0x680, s15;
	s14 =	sand.u32 $0xFF, s12;
	s8 =	ssub.s32 s11, s13;
	v15 =	vor.u32 v10, v13  }
0x130: {  	s11 =	smul.u32 $0x4F, s14;
	s8 =	sand.u32 $0xFF, s8  }
0x131: {  	s10 =	sshrl.u32 s10, $0x2;
	s8 =	sshll.u32 s8, $0x4  }
0x132: {  	s15 =	sshrl.u32 s11, $0xB;
	s8 =	sadd.s32 s8, s10  }
0x133: {  	s11 =	smul.u32 $0x1A, s15;
	[tilespmem:s8+$0xD00] =	vst v14  }
0x134: {  	s13 =	sadd.s32 $0xB, s9;
	v14 =	vld.idx.msk [tilespmem:v15+s2+$0x0], $0xffff  }
0x135: {  	s14 =	sand.u32 $0xFF, s13;
	s10 =	smul.u32 $0x680, s15;
	s8 =	ssub.s32 s12, s11;
	v15 =	vor.u32 v11, v13  }
0x136: {  	s12 =	smul.u32 $0x4F, s14;
	s8 =	sand.u32 $0xFF, s8  }
0x137: {  	s10 =	sshrl.u32 s10, $0x2;
	s8 =	sshll.u32 s8, $0x4  }
0x138: {  	s15 =	sshrl.u32 s12, $0xB;
	s8 =	sadd.s32 s8, s10  }
0x139: {  	s12 =	smul.u32 $0x1A, s15;
	[tilespmem:s8+$0xD00] =	vst v14  }
0x13a: {  	s9 =	sadd.s32 $0xC, s9;
	v14 =	vld.idx.msk [tilespmem:v15+s2+$0x0], $0xffff  }
0x13b: {  	v13 =	vor.u32 v12, v13;
	s10 =	smul.u32 $0x680, s15;
	s8 =	ssub.s32 s13, s12;
	s13 =	sand.u32 $0xFF, s9  }
0x13c: {  	s8 =	sand.u32 $0xFF, s8;
	s11 =	smul.u32 $0x4F, s13  }
0x13d: {  	s10 =	sshrl.u32 s10, $0x2;
	s8 =	sshll.u32 s8, $0x4  }
0x13e: {  	s8 =	sadd.s32 s8, s10;
	s14 =	sshrl.u32 s11, $0xB  }
0x13f: {  	s15 =	smul.u32 $0x1A, s14;
	[tilespmem:s8+$0xD00] =	vst v14  }
0x140: {  	v13 =	vld.idx.msk [tilespmem:v13+s2+$0x0], $0xffff  }
0x141: {  	s10 =	smul.u32 $0x680, s14;
	s8 =	ssub.s32 s9, s15  }
0x142: {  	s8 =	sand.u32 $0xFF, s8  }
0x143: {  	s9 =	sshrl.u32 s10, $0x2;
	s8 =	sshll.u32 s8, $0x4  }
0x144: {  	s8 =	sadd.s32 s8, s9  }
0x145: {  	s11 =	simm.s32 $0xD00;
	[tilespmem:s8+$0xD00] =	vst v13  }
0x146: {  	[tilespmem:s28], [sflag:$0x1] =	stream.indirect.gather [hbm4b:s3+s25], $0x40, s11, s25, $0xb8;
	[tilespmem:$0x1BA00] =	vst v63  }
0x147: {  	s12 =	simm.s32 $0xEA0  }
0x148: {  	[tilespmem:s30], [sflag:$0x2] =	stream.indirect.gather [hbm4b:s3+s25], $0x40, s12, s25, $0xb8;
	[tilespmem:$0x1BA00] =	vst v63  }
0x149: {  	s13 =	simm.s32 $0x1040  }
0x14a: {  	[tilespmem:s0], [sflag:$0x3] =	stream.indirect.gather [hbm4b:s3+s25], $0x40, s13, s25, $0xb8;
	[tilespmem:$0x1BA00] =	vst v63  }
0x14b: {  	s14 =	simm.s32 $0x11E0  }
0x14c: {  	[tilespmem:s22], [sflag:$0x4] =	stream.indirect.gather [hbm4b:s3+s25], $0x40, s14, s25, $0xb8;
	[tilespmem:$0x1BA00] =	vst v63  }
0x14d: {  	_ =	swait.ge [sflag:s23], $0x6800  }
0x14e: {  	[sflag:s23] =	ssyncset.done $0x0  }
0x14f: {  	s15 =	rddreg [dreg:$0x5];
	[sflag:s23] =	ssyncadd.s32 $0xFFFF9800  }
0x150: {  	[hbm4b:s15+s2] =	stream.linear.scatter [tilespmem:s28], [sflag:$0x5], $0x6800, $0x38;
	[tilespmem:$0x1BA00] =	vst v63  }
0x151: {  	s9 =	rddreg [dreg:$0x6]  }
0x152: {  	[hbm4b:s9+s2] =	stream.linear.scatter [tilespmem:s28], [sflag:$0x5], $0x6800, $0x38;
	[tilespmem:$0x1BA00] =	vst v63  }
0x153: {  	_ =	swait.ge [sflag:s26], $0x6800  }
0x154: {  	[sflag:s26] =	ssyncset.done $0x0  }
0x155: {  	[sflag:s26] =	ssyncadd.s32 $0xFFFF9800  }
0x156: {  	_ =	swait.ge [sflag:s26], $0x6800  }
0x157: {  	[sflag:s26] =	ssyncset.done $0x0  }
0x158: {  	s10 =	simm.s32 $0x1380;
	[sflag:s26] =	ssyncadd.s32 $0xFFFF9800  }
0x159: {  	[tilespmem:s28], [sflag:$0x1] =	stream.indirect.gather [hbm4b:s3+s25], $0x40, s10, s25, $0xb8;
	[tilespmem:$0x1BA00] =	vst v63  }
0x15a: {  	_ =	swait.ge [sflag:s31], $0x6800  }
0x15b: {  	[sflag:s31] =	ssyncset.done $0x0  }
0x15c: {  	s11 =	rddreg [dreg:$0x7];
	[sflag:s31] =	ssyncadd.s32 $0xFFFF9800  }
0x15d: {  	[hbm4b:s11+s2] =	stream.linear.scatter [tilespmem:s30], [sflag:$0x6], $0x6800, $0x38;
	[tilespmem:$0x1BA00] =	vst v63  }
0x15e: {  	s12 =	rddreg [dreg:$0x8]  }
0x15f: {  	[hbm4b:s12+s2] =	stream.linear.scatter [tilespmem:s30], [sflag:$0x6], $0x6800, $0x38;
	[tilespmem:$0x1BA00] =	vst v63  }
0x160: {  	_ =	swait.ge [sflag:s1], $0x6800  }
0x161: {  	[sflag:s1] =	ssyncset.done $0x0  }
0x162: {  	[sflag:s1] =	ssyncadd.s32 $0xFFFF9800  }
0x163: {  	_ =	swait.ge [sflag:s1], $0x6800  }
0x164: {  	[sflag:s1] =	ssyncset.done $0x0  }
0x165: {  	s13 =	simm.s32 $0x1520;
	[sflag:s1] =	ssyncadd.s32 $0xFFFF9800  }
0x166: {  	[tilespmem:s30], [sflag:$0x2] =	stream.indirect.gather [hbm4b:s3+s25], $0x40, s13, s25, $0xb8;
	[tilespmem:$0x1BA00] =	vst v63  }
0x167: {  	_ =	swait.ge [sflag:s29], $0x6800  }
0x168: {  	[sflag:s29] =	ssyncset.done $0x0  }
0x169: {  	s14 =	rddreg [dreg:$0x9];
	[sflag:s29] =	ssyncadd.s32 $0xFFFF9800  }
0x16a: {  	[hbm4b:s14+s2] =	stream.linear.scatter [tilespmem:s0], [sflag:$0x7], $0x6800, $0x38;
	[tilespmem:$0x1BA00] =	vst v63  }
0x16b: {  	s15 =	rddreg [dreg:$0xa]  }
0x16c: {  	[hbm4b:s15+s2] =	stream.linear.scatter [tilespmem:s0], [sflag:$0x7], $0x6800, $0x38;
	[tilespmem:$0x1BA00] =	vst v63  }
0x16d: {  	_ =	swait.ge [sflag:s4], $0x6800  }
0x16e: {  	[sflag:s4] =	ssyncset.done $0x0  }
0x16f: {  	[sflag:s4] =	ssyncadd.s32 $0xFFFF9800  }
0x170: {  	_ =	swait.ge [sflag:s4], $0x6800  }
0x171: {  	[sflag:s4] =	ssyncset.done $0x0  }
0x172: {  	s9 =	simm.s32 $0x16C0;
	[sflag:s4] =	ssyncadd.s32 $0xFFFF9800  }
0x173: {  	[tilespmem:s0], [sflag:$0x3] =	stream.indirect.gather [hbm4b:s3+s25], $0x40, s9, s25, $0xb8;
	[tilespmem:$0x1BA00] =	vst v63  }
0x174: {  	_ =	swait.ge [sflag:s5], $0x6800  }
0x175: {  	[sflag:s5] =	ssyncset.done $0x0  }
0x176: {  	s10 =	rddreg [dreg:$0xb];
	[sflag:s5] =	ssyncadd.s32 $0xFFFF9800  }
0x177: {  	[hbm4b:s10+s2] =	stream.linear.scatter [tilespmem:s22], [sflag:$0x8], $0x6800, $0x38;
	[tilespmem:$0x1BA00] =	vst v63  }
0x178: {  	s11 =	rddreg [dreg:$0xc]  }
0x179: {  	[hbm4b:s11+s2] =	stream.linear.scatter [tilespmem:s22], [sflag:$0x8], $0x6800, $0x38;
	[tilespmem:$0x1BA00] =	vst v63  }
0x17a: {  	_ =	swait.ge [sflag:s6], $0x6800  }
0x17b: {  	[sflag:s6] =	ssyncset.done $0x0  }
0x17c: {  	[sflag:s6] =	ssyncadd.s32 $0xFFFF9800  }
0x17d: {  	_ =	swait.ge [sflag:s6], $0x6800  }
0x17e: {  	[sflag:s6] =	ssyncset.done $0x0  }
0x17f: {  	s12 =	simm.s32 $0x1860;
	[sflag:s6] =	ssyncadd.s32 $0xFFFF9800  }
0x180: {  	[tilespmem:s22], [sflag:$0x4] =	stream.indirect.gather [hbm4b:s3+s25], $0x40, s12, s25, $0xb8;
	[tilespmem:$0x1BA00] =	vst v63  }
0x181: {  	_ =	swait.ge [sflag:s23], $0x6800  }
0x182: {  	[sflag:s23] =	ssyncset.done $0x0  }
0x183: {  	s13 =	rddreg [dreg:$0xd];
	[sflag:s23] =	ssyncadd.s32 $0xFFFF9800  }
0x184: {  	[hbm4b:s13+s2] =	stream.linear.scatter [tilespmem:s28], [sflag:$0x5], $0x6800, $0x38;
	[tilespmem:$0x1BA00] =	vst v63  }
0x185: {  	s14 =	rddreg [dreg:$0xe]  }
0x186: {  	[hbm4b:s14+s2] =	stream.linear.scatter [tilespmem:s28], [sflag:$0x5], $0x6800, $0x38;
	[tilespmem:$0x1BA00] =	vst v63  }
0x187: {  	_ =	swait.ge [sflag:s31], $0x6800  }
0x188: {  	[sflag:s31] =	ssyncset.done $0x0  }
0x189: {  	s15 =	rddreg [dreg:$0xf];
	[sflag:s31] =	ssyncadd.s32 $0xFFFF9800  }
0x18a: {  	[hbm4b:s15+s2] =	stream.linear.scatter [tilespmem:s30], [sflag:$0x6], $0x6800, $0x38;
	[tilespmem:$0x1BA00] =	vst v63  }
0x18b: {  	_ = 	snop  }
0x18c: {  	[hbm4b:s16+s2] =	stream.linear.scatter [tilespmem:s30], [sflag:$0x6], $0x6800, $0x38;
	[tilespmem:$0x1BA00] =	vst v63  }
0x18d: {  	_ =	swait.ge [sflag:s29], $0x6800  }
0x18e: {  	[sflag:s29] =	ssyncset.done $0x0  }
0x18f: {  	[sflag:s29] =	ssyncadd.s32 $0xFFFF9800  }
0x190: {  	[hbm4b:s17+s2] =	stream.linear.scatter [tilespmem:s0], [sflag:$0x7], $0x6800, $0x38;
	[tilespmem:$0x1BA00] =	vst v63  }
0x191: {  	_ = 	snop  }
0x192: {  	[hbm4b:s18+s2] =	stream.linear.scatter [tilespmem:s0], [sflag:$0x7], $0x6800, $0x38;
	[tilespmem:$0x1BA00] =	vst v63  }
0x193: {  	_ =	swait.ge [sflag:s5], $0x6800  }
0x194: {  	[sflag:s5] =	ssyncset.done $0x0  }
0x195: {  	[sflag:s5] =	ssyncadd.s32 $0xFFFF9800  }
0x196: {  	[hbm4b:s19+s2] =	stream.linear.scatter [tilespmem:s22], [sflag:$0x8], $0x6800, $0x38;
	[tilespmem:$0x1BA00] =	vst v63  }
0x197: {  	_ = 	snop  }
0x198: {  	[hbm4b:s20+s2] =	stream.linear.scatter [tilespmem:s22], [sflag:$0x8], $0x6800, $0x38;
	[tilespmem:$0x1BA00] =	vst v63  }
0x199: {  	_ =	swait.ge [sflag:s26], $0x6800  }
0x19a: {  	[sflag:s26] =	ssyncset.done $0x0  }
0x19b: {  	[sflag:s26] =	ssyncadd.s32 $0xFFFF9800  }
0x19c: {  	_ =	swait.ge [sflag:s26], $0x6800  }
0x19d: {  	[sflag:s26] =	ssyncset.done $0x0  }
0x19e: {  	[sflag:s26] =	ssyncadd.s32 $0xFFFF9800  }
0x19f: {  	_ =	swait.ge [sflag:s1], $0x6800  }
0x1a0: {  	[sflag:s1] =	ssyncset.done $0x0  }
0x1a1: {  	[sflag:s1] =	ssyncadd.s32 $0xFFFF9800  }
0x1a2: {  	_ =	swait.ge [sflag:s1], $0x6800  }
0x1a3: {  	[sflag:s1] =	ssyncset.done $0x0  }
0x1a4: {  	[sflag:s1] =	ssyncadd.s32 $0xFFFF9800  }
0x1a5: {  	_ =	swait.ge [sflag:s4], $0x6800  }
0x1a6: {  	[sflag:s4] =	ssyncset.done $0x0  }
0x1a7: {  	[sflag:s4] =	ssyncadd.s32 $0xFFFF9800  }
0x1a8: {  	_ =	swait.ge [sflag:s4], $0x6800  }
0x1a9: {  	[sflag:s4] =	ssyncset.done $0x0  }
0x1aa: {  	s7 =	sadd.s32 $0x1, s7;
	[sflag:s4] =	ssyncadd.s32 $0xFFFF9800  }
0x1ab: {  	p0 =	sne.s32 s7, s21;
	_ =	swait.ge [sflag:s6], $0x6800  }
.Ltmp1:
0x1ac: {  	[sflag:s6] =	ssyncset.done $0x0;
	(pc) =	sbr.rel @p0 .LBB2_1-.Ltmp1, $4  }
0x1ad: {  	[sflag:s6] =	ssyncadd.s32 $0xFFFF9800  }
0x1ae: {  	_ =	swait.ge [sflag:s6], $0x6800  }
0x1af: {  	[sflag:s6] =	ssyncset.done $0x0  }
0x1b0: {  	[sflag:s6] =	ssyncadd.s32 $0xFFFF9800  }
0x1b1: {  	_ =	sfence.sel $0x180000  }
0x1b2: {  	[bflag:$0x0] =	sbarrier.arrive $0xFFFF  }
0x1b3: {  	_ =	strace $0x90000047  }
0x1b4: {  	s0 =	stileid.u32;
	[bflag:$0x2] =	sbarrier.arrive $0xFFFF  }
0x1b5: {  	p0 =	sne.s32 s0, $0x0;
	s0 =	rddreg [dreg:$0x3]  }
0x1b6: {  	s0 =	sadd.s32 @!p0 $0x100000, s0  }
0x1b7: {  	[sflag:s0] =	ssyncadd.tile.s32 @!p0 $0x1;
	_ =	shalt  }
.Lfunc_end2:
_tile_overlayer_lowered:
.L_overlay_start_2:
0x1b8: {  	(tag) =	ssettag $0x2  }
0x1b9: {  	s0 =	rddreg [dreg:$0x0];
	s2 =	stileid.u32  }
0x1ba: {  	s1 =	rddreg [dreg:$0x1];
	p0 =	sne.s32 s2, $0x0  }
0x1bb: {  	s3 =	rddreg [dreg:$0x2];
	[bflag:$0x3] =	sbarrier.arrive $0xFFFF;
	s2 =	simm.s32 @!p0 $0x1C09  }
0x1bc: {  	[timem:s3], [sflag:s2] =	dma.local @!p0 [hbm:s0], s1  }
0x1bd: {  	s0 =	simm.s32 @!p0 $0x9  }
0x1be: {  	_ =	swait.ge @!p0 [sflag:s0], s1  }
0x1bf: {  	s1 =	ssub.s32 @!p0 $0x0, s1;
	[sflag:s0] =	ssyncset.done @!p0 $0x0  }
0x1c0: {  	[sflag:s0] =	ssyncadd.s32 @!p0 s1  }
0x1c1: {  	[bflag:$0x3] =	sbarrier.arrive $0xFFFF  }
0x1c2: {  	_ =	shalt  }

</sc_bundles>
